<compile_context>
chip_gen: v7x
topology: tpu7x:2x2x1
jax: 0.10.2.dev20260603
libtpu: 0.0.44.dev20260713+nightly
codegen_flags: <defaults>
</compile_context>

<pallas_src>
import functools

import jax
import jax.numpy as jnp
from jax import lax
from jax.experimental import pallas as pl
from jax.experimental.pallas import tpu as pltpu
from jax.experimental.pallas import tpu_sc as plsc

H = W = 14
HW = H * W
V = (2 * H - 1) * (2 * W - 1)
IO = 32
NJV = 13
VP = V


def _make_gather():
    mesh = plsc.VectorSubcoreMesh(core_axis_name="c", subcore_axis_name="s")

    @functools.partial(
        pl.kernel,
        mesh=mesh,
        out_type=jax.ShapeDtypeStruct((HW, IO, IO, HW), jnp.float32),
        compiler_params=pltpu.CompilerParams(needs_layout_passes=False),
        scratch_types=[
            pltpu.VMEM((HW, HW), jnp.int32),
            pltpu.VMEM((IO * V,), jnp.float32),
            pltpu.VMEM((4, IO, HW), jnp.float32),
            pltpu.SemaphoreType.DMA,
        ],
    )
    def gather_kernel(tabt_hbm, idx_hbm, out_hbm, idx_v, tab_v, buf_v, sem):
        w = lax.axis_index("s") * 2 + lax.axis_index("c")

        pltpu.sync_copy(idx_hbm, idx_v)
        pltpu.sync_copy(tabt_hbm.at[w], tab_v)

        offs = [jv * 16 for jv in range(NJV - 1)] + [HW - 16]

        def drain_one():
            pltpu.make_async_copy(
                buf_v.at[0], out_hbm.at[0, w], sem).wait()

        def body(i, _):
            ph = lax.rem(i, 4)

            @pl.when(i >= 4)
            def _():
                drain_one()

            ivs = [idx_v[i, pl.ds(joff, 16)] for joff in offs]

            @plsc.parallel_loop(0, IO, unroll=4)
            def out_body(o):
                ov = jnp.full((16,), o * VP, jnp.int32)
                for jv, joff in enumerate(offs):
                    vals = plsc.load_gather(tab_v, [ov + ivs[jv]])
                    buf_v[ph, o, pl.ds(joff, 16)] = vals

            pltpu.async_copy(buf_v.at[ph], out_hbm.at[i, w], sem)
            return _

        lax.fori_loop(0, HW, body, None)
        for _ in range(4):
            drain_one()

    return gather_kernel


_gather = _make_gather()


def kernel(unique_params, index_map):
    tabt = unique_params.transpose(1, 2, 0).reshape(IO, IO * V)
    out = _gather(tabt, index_map.astype(jnp.int32))
    return out.transpose(0, 3, 1, 2)

# --- scband reference (transcript-rebuilt; emitter-appended) ---
"""Pipeline reference for scband-shared-parameter-16097537425414 (READ-ONLY COPY).

The authoritative reference and input builder live on the scoring server;
editing this copy changes nothing except your own understanding.
"""

import jax, jax.numpy as jnp
import numpy as np
import math

HEIGHT, WIDTH, IN_DIM, OUT_DIM = 14, 14, 32, 32


def _build_index_map(h, w):
    idx = []
    for x in range(h):
        for y in range(w):
            tmp = []
            for i in range(h):
                for j in range(w):
                    dx = x - i + h - 1
                    dy = y - j + w - 1
                    tmp.append(dx * (2 * w - 1) + dy)
            idx.append(tmp)
    return np.array(idx, dtype=np.int64)


def setup_inputs(seed: int = 0) -> dict:
    key = jax.random.key(seed)
    num_img_tokens = (2 * HEIGHT - 1) * (2 * WIDTH - 1)
    # torch kaiming_uniform_(a=sqrt(5)) on [num, in, out]: fan_in = in*out,
    # gain = sqrt(2/(1+5)) = sqrt(1/3), bound = gain*sqrt(3/fan_in) = sqrt(1/fan_in)
    bound = 1.0 / math.sqrt(IN_DIM * OUT_DIM)
    unique_params = jax.random.uniform(
        key, (num_img_tokens, IN_DIM, OUT_DIM), dtype=jnp.float32,
        minval=-bound, maxval=bound)
    index_map = jnp.asarray(_build_index_map(HEIGHT, WIDTH))
    return {"unique_params": unique_params, "index_map": index_map}


def reference(unique_params, index_map):
    # gather: weight[hw, hw, in_dim, out_dim] = unique_params[index_map]
    weight = jnp.take(unique_params, index_map, axis=0)
    return weight

if __name__ == "__main__":
    import jax
    _d = setup_inputs()
    print(jax.jit(kernel)(*tuple(_d.values())))

</pallas_src>

<mosaic_0001>
#map = affine_map<(d0, d1) -> (0, 0)>
#map1 = affine_map<(d0, d1) -> (0, 0, 0, 0)>
module attributes {stable_mosaic.version = 14 : i64} {
  func.func @gather_kernel(%arg0: i32, %arg1: i32, %arg2: memref<32x23328xf32, #tpu.memory_space<hbm>>, %arg3: memref<196x196xi32, #tpu.memory_space<hbm>>, %arg4: memref<196x32x32x196xf32, #tpu.memory_space<hbm>>, %arg5: memref<196x196xi32, #tpu.memory_space<vmem>>, %arg6: memref<23328xf32, #tpu.memory_space<vmem>>, %arg7: memref<4x32x196xf32, #tpu.memory_space<vmem>>, %arg8: memref<!tpu.dma_semaphore, #tpu.memory_space<semaphore_mem>>) attributes {dimension_semantics = [#tpu.dimension_semantics<core_parallel>, #tpu.dimension_semantics<subcore_parallel>], iteration_bounds = array<i64: 2, 16>, scalar_prefetch = 0 : i64, scratch_operands = 4 : i64, tpu.core_type = #tpu.core_type<sc_vector_subcore>, window_params = [{transform_indices = #map}, {transform_indices = #map}, {transform_indices = #map1}]} {
    %mul3A = arith.constant 2 : i32
    %mul3A_0 = arith.muli %arg1, %mul3A : i32
    %add3A = arith.addi %mul3A_0, %arg0 : i32
    "tpu.region"() ({
      %run_scoped3A = tpu.sem_alloc : memref<!tpu.dma_semaphore, #tpu.memory_space<semaphore_mem>>
      tpu.enqueue_dma source(%arg3 : memref<196x196xi32, #tpu.memory_space<hbm>>) target(%arg5 : memref<196x196xi32, #tpu.memory_space<vmem>>) target_semaphore(%run_scoped3A : memref<!tpu.dma_semaphore, #tpu.memory_space<semaphore_mem>>)
      tpu.wait_dma2 semaphore(%run_scoped3A : memref<!tpu.dma_semaphore, #tpu.memory_space<semaphore_mem>>) src(%arg3 : memref<196x196xi32, #tpu.memory_space<hbm>>) dst(%arg5 : memref<196x196xi32, #tpu.memory_space<vmem>>)
      tpu.yield
    }) : () -> ()
    "tpu.region"() ({
      %run_scoped3A = tpu.sem_alloc : memref<!tpu.dma_semaphore, #tpu.memory_space<semaphore_mem>>
      %dma_start3A = arith.constant 0 : i32
      %dma_start3A_76 = tpu.memref_slice %arg2[%add3A, %dma_start3A] : memref<32x23328xf32, #tpu.memory_space<hbm>> -> memref<1x23328xf32, #tpu.memory_space<hbm>>
      %dma_start3A_77 = tpu.memref_squeeze %dma_start3A_76 : memref<1x23328xf32, #tpu.memory_space<hbm>> -> memref<23328xf32, #tpu.memory_space<hbm>>
      %dma_start3A_78 = arith.constant 0 : i32
      %dma_start3A_79 = tpu.memref_slice %arg2[%add3A, %dma_start3A_78] : memref<32x23328xf32, #tpu.memory_space<hbm>> -> memref<1x23328xf32, #tpu.memory_space<hbm>>
      %dma_start3A_80 = tpu.memref_squeeze %dma_start3A_79 : memref<1x23328xf32, #tpu.memory_space<hbm>> -> memref<23328xf32, #tpu.memory_space<hbm>>
      tpu.enqueue_dma source(%dma_start3A_80 : memref<23328xf32, #tpu.memory_space<hbm>>) target(%arg6 : memref<23328xf32, #tpu.memory_space<vmem>>) target_semaphore(%run_scoped3A : memref<!tpu.dma_semaphore, #tpu.memory_space<semaphore_mem>>)
      %dma_wait3A_81 = arith.constant 0 : i32
      %dma_wait3A_82 = tpu.memref_slice %arg2[%add3A, %dma_wait3A_81] : memref<32x23328xf32, #tpu.memory_space<hbm>> -> memref<1x23328xf32, #tpu.memory_space<hbm>>
      %dma_wait3A_83 = tpu.memref_squeeze %dma_wait3A_82 : memref<1x23328xf32, #tpu.memory_space<hbm>> -> memref<23328xf32, #tpu.memory_space<hbm>>
      %dma_wait3A_84 = arith.constant 0 : i32
      %dma_wait3A_85 = tpu.memref_slice %arg2[%add3A, %dma_wait3A_84] : memref<32x23328xf32, #tpu.memory_space<hbm>> -> memref<1x23328xf32, #tpu.memory_space<hbm>>
      %dma_wait3A_86 = tpu.memref_squeeze %dma_wait3A_85 : memref<1x23328xf32, #tpu.memory_space<hbm>> -> memref<23328xf32, #tpu.memory_space<hbm>>
      tpu.wait_dma2 semaphore(%run_scoped3A : memref<!tpu.dma_semaphore, #tpu.memory_space<semaphore_mem>>) src(%dma_wait3A_86 : memref<23328xf32, #tpu.memory_space<hbm>>) dst(%arg6 : memref<23328xf32, #tpu.memory_space<vmem>>)
      tpu.yield
    }) : () -> ()
    %scan3A = arith.constant 0 : i32
    %scan3A_1 = arith.constant 196 : i32
    %scan3A_2 = arith.addi %scan3A, %scan3A_1 : i32
    %scan3A_3 = arith.constant 1 : i32
    scf.for %scan3A_76 = %scan3A to %scan3A_2 step %scan3A_3  : i32 {
      %rem3A = arith.constant 4 : i32
      %rem3A_77 = arith.remsi %scan3A_76, %rem3A : i32
      %ge3A = arith.constant 4 : i32
      %ge3A_78 = arith.cmpi sge, %scan3A_76, %ge3A : i32
      %convert_element_type3A = arith.extui %ge3A_78 : i1 to i32
      %cond3A = arith.constant 0 : i32
      %cond3A_79 = arith.cmpi ne, %convert_element_type3A, %cond3A : i32
      scf.if %cond3A_79 {
        %dma_wait3A_135 = arith.constant 0 : i32
        %dma_wait3A_136 = arith.constant 0 : i32
        %dma_wait3A_137 = arith.constant 0 : i32
        %dma_wait3A_138 = arith.constant 0 : i32
        %dma_wait3A_139 = tpu.memref_slice %arg7[%dma_wait3A_135, %dma_wait3A_137, %dma_wait3A_138] : memref<4x32x196xf32, #tpu.memory_space<vmem>> -> memref<1x32x196xf32, #tpu.memory_space<vmem>>
        %dma_wait3A_140 = tpu.memref_squeeze %dma_wait3A_139 : memref<1x32x196xf32, #tpu.memory_space<vmem>> -> memref<32x196xf32, #tpu.memory_space<vmem>>
        %dma_wait3A_141 = arith.constant 0 : i32
        %dma_wait3A_142 = arith.constant 0 : i32
        %dma_wait3A_143 = tpu.memref_slice %arg4[%dma_wait3A_136, %add3A, %dma_wait3A_141, %dma_wait3A_142] : memref<196x32x32x196xf32, #tpu.memory_space<hbm>> -> memref<1x1x32x196xf32, #tpu.memory_space<hbm>>
        %dma_wait3A_144 = tpu.memref_squeeze %dma_wait3A_143 : memref<1x1x32x196xf32, #tpu.memory_space<hbm>> -> memref<32x196xf32, #tpu.memory_space<hbm>>
        %dma_wait3A_145 = arith.constant 0 : i32
        %dma_wait3A_146 = arith.constant 0 : i32
        %dma_wait3A_147 = tpu.memref_slice %arg4[%dma_wait3A_136, %add3A, %dma_wait3A_145, %dma_wait3A_146] : memref<196x32x32x196xf32, #tpu.memory_space<hbm>> -> memref<1x1x32x196xf32, #tpu.memory_space<hbm>>
        %dma_wait3A_148 = tpu.memref_squeeze %dma_wait3A_147 : memref<1x1x32x196xf32, #tpu.memory_space<hbm>> -> memref<32x196xf32, #tpu.memory_space<hbm>>
        %dma_wait3A_149 = arith.constant 0 : i32
        %dma_wait3A_150 = arith.constant 0 : i32
        %dma_wait3A_151 = tpu.memref_slice %arg7[%dma_wait3A_135, %dma_wait3A_149, %dma_wait3A_150] : memref<4x32x196xf32, #tpu.memory_space<vmem>> -> memref<1x32x196xf32, #tpu.memory_space<vmem>>
        %dma_wait3A_152 = tpu.memref_squeeze %dma_wait3A_151 : memref<1x32x196xf32, #tpu.memory_space<vmem>> -> memref<32x196xf32, #tpu.memory_space<vmem>>
        tpu.wait_dma2 semaphore(%arg8 : memref<!tpu.dma_semaphore, #tpu.memory_space<semaphore_mem>>) src(%dma_wait3A_152 : memref<32x196xf32, #tpu.memory_space<vmem>>) dst(%dma_wait3A_148 : memref<32x196xf32, #tpu.memory_space<hbm>>)
      } else {
      }
      %get3A = arith.index_cast %scan3A_76 : i32 to index
      %get3A_80 = arith.constant 0 : index
      %get3A_81 = tpu.vector_load %arg5[%get3A, %get3A_80] {strides = array<i32>} : memref<196x196xi32, #tpu.memory_space<vmem>>, vector<16xi32>,
      %get3A_82 = arith.index_cast %scan3A_76 : i32 to index
      %get3A_83 = arith.constant 16 : index
      %get3A_84 = tpu.vector_load %arg5[%get3A_82, %get3A_83] {strides = array<i32>} : memref<196x196xi32, #tpu.memory_space<vmem>>, vector<16xi32>,
      %get3A_85 = arith.index_cast %scan3A_76 : i32 to index
      %get3A_86 = arith.constant 32 : index
      %get3A_87 = tpu.vector_load %arg5[%get3A_85, %get3A_86] {strides = array<i32>} : memref<196x196xi32, #tpu.memory_space<vmem>>, vector<16xi32>,
      %get3A_88 = arith.index_cast %scan3A_76 : i32 to index
      %get3A_89 = arith.constant 48 : index
      %get3A_90 = tpu.vector_load %arg5[%get3A_88, %get3A_89] {strides = array<i32>} : memref<196x196xi32, #tpu.memory_space<vmem>>, vector<16xi32>,
      %get3A_91 = arith.index_cast %scan3A_76 : i32 to index
      %get3A_92 = arith.constant 64 : index
      %get3A_93 = tpu.vector_load %arg5[%get3A_91, %get3A_92] {strides = array<i32>} : memref<196x196xi32, #tpu.memory_space<vmem>>, vector<16xi32>,
      %get3A_94 = arith.index_cast %scan3A_76 : i32 to index
      %get3A_95 = arith.constant 80 : index
      %get3A_96 = tpu.vector_load %arg5[%get3A_94, %get3A_95] {strides = array<i32>} : memref<196x196xi32, #tpu.memory_space<vmem>>, vector<16xi32>,
      %get3A_97 = arith.index_cast %scan3A_76 : i32 to index
      %get3A_98 = arith.constant 96 : index
      %get3A_99 = tpu.vector_load %arg5[%get3A_97, %get3A_98] {strides = array<i32>} : memref<196x196xi32, #tpu.memory_space<vmem>>, vector<16xi32>,
      %get3A_100 = arith.index_cast %scan3A_76 : i32 to index
      %get3A_101 = arith.constant 112 : index
      %get3A_102 = tpu.vector_load %arg5[%get3A_100, %get3A_101] {strides = array<i32>} : memref<196x196xi32, #tpu.memory_space<vmem>>, vector<16xi32>,
      %get3A_103 = arith.index_cast %scan3A_76 : i32 to index
      %get3A_104 = arith.constant 128 : index
      %get3A_105 = tpu.vector_load %arg5[%get3A_103, %get3A_104] {strides = array<i32>} : memref<196x196xi32, #tpu.memory_space<vmem>>, vector<16xi32>,
      %get3A_106 = arith.index_cast %scan3A_76 : i32 to index
      %get3A_107 = arith.constant 144 : index
      %get3A_108 = tpu.vector_load %arg5[%get3A_106, %get3A_107] {strides = array<i32>} : memref<196x196xi32, #tpu.memory_space<vmem>>, vector<16xi32>,
      %get3A_109 = arith.index_cast %scan3A_76 : i32 to index
      %get3A_110 = arith.constant 160 : index
      %get3A_111 = tpu.vector_load %arg5[%get3A_109, %get3A_110] {strides = array<i32>} : memref<196x196xi32, #tpu.memory_space<vmem>>, vector<16xi32>,
      %get3A_112 = arith.index_cast %scan3A_76 : i32 to index
      %get3A_113 = arith.constant 176 : index
      %get3A_114 = tpu.vector_load %arg5[%get3A_112, %get3A_113] {strides = array<i32>} : memref<196x196xi32, #tpu.memory_space<vmem>>, vector<16xi32>,
      %get3A_115 = arith.index_cast %scan3A_76 : i32 to index
      %get3A_116 = arith.constant 180 : index
      %get3A_117 = tpu.vector_load %arg5[%get3A_115, %get3A_116] {strides = array<i32>} : memref<196x196xi32, #tpu.memory_space<vmem>>, vector<16xi32>,
      %parallel_loop3A = arith.constant 0 : i32
      %parallel_loop3A_118 = arith.constant 32 : i32
      %parallel_loop3A_119 = arith.constant 1 : i32
      scf.for %parallel_loop3A_135 = %parallel_loop3A to %parallel_loop3A_118 step %parallel_loop3A_119  : i32 {
        %parallel_loop3A_136 = arith.constant 729 : i32
        %parallel_loop3A_137 = arith.muli %parallel_loop3A_135, %parallel_loop3A_136 : i32
        %parallel_loop3A_138 = vector.broadcast %parallel_loop3A_137 : i32 to vector<16xi32>
        %parallel_loop3A_139 = arith.addi %parallel_loop3A_138, %get3A_81 : vector<16xi32>
        %parallel_loop3A_140 = tpu.vector_load_idx %arg6[%parallel_loop3A_139] : memref<23328xf32, #tpu.memory_space<vmem>>[vector<16xi32>], vector<16xf32>,
        %parallel_loop3A_141 = arith.index_cast %rem3A_77 : i32 to index
        %parallel_loop3A_142 = arith.index_cast %parallel_loop3A_135 : i32 to index
        %parallel_loop3A_143 = arith.constant 0 : index
        %parallel_loop3A_144 = tpu.vector_load %arg7[%parallel_loop3A_141, %parallel_loop3A_142, %parallel_loop3A_143] {strides = array<i32>} : memref<4x32x196xf32, #tpu.memory_space<vmem>>, vector<16xf32>,
        tpu.vector_store %arg7[%parallel_loop3A_141, %parallel_loop3A_142, %parallel_loop3A_143], %parallel_loop3A_140 {strides = array<i32>} : memref<4x32x196xf32, #tpu.memory_space<vmem>>, vector<16xf32>,
        %parallel_loop3A_145 = arith.addi %parallel_loop3A_138, %get3A_84 : vector<16xi32>
        %parallel_loop3A_146 = tpu.vector_load_idx %arg6[%parallel_loop3A_145] : memref<23328xf32, #tpu.memory_space<vmem>>[vector<16xi32>], vector<16xf32>,
        %parallel_loop3A_147 = arith.index_cast %rem3A_77 : i32 to index
        %parallel_loop3A_148 = arith.index_cast %parallel_loop3A_135 : i32 to index
        %parallel_loop3A_149 = arith.constant 16 : index
        %parallel_loop3A_150 = tpu.vector_load %arg7[%parallel_loop3A_147, %parallel_loop3A_148, %parallel_loop3A_149] {strides = array<i32>} : memref<4x32x196xf32, #tpu.memory_space<vmem>>, vector<16xf32>,
        tpu.vector_store %arg7[%parallel_loop3A_147, %parallel_loop3A_148, %parallel_loop3A_149], %parallel_loop3A_146 {strides = array<i32>} : memref<4x32x196xf32, #tpu.memory_space<vmem>>, vector<16xf32>,
        %parallel_loop3A_151 = arith.addi %parallel_loop3A_138, %get3A_87 : vector<16xi32>
        %parallel_loop3A_152 = tpu.vector_load_idx %arg6[%parallel_loop3A_151] : memref<23328xf32, #tpu.memory_space<vmem>>[vector<16xi32>], vector<16xf32>,
        %parallel_loop3A_153 = arith.index_cast %rem3A_77 : i32 to index
        %parallel_loop3A_154 = arith.index_cast %parallel_loop3A_135 : i32 to index
        %parallel_loop3A_155 = arith.constant 32 : index
        %parallel_loop3A_156 = tpu.vector_load %arg7[%parallel_loop3A_153, %parallel_loop3A_154, %parallel_loop3A_155] {strides = array<i32>} : memref<4x32x196xf32, #tpu.memory_space<vmem>>, vector<16xf32>,
        tpu.vector_store %arg7[%parallel_loop3A_153, %parallel_loop3A_154, %parallel_loop3A_155], %parallel_loop3A_152 {strides = array<i32>} : memref<4x32x196xf32, #tpu.memory_space<vmem>>, vector<16xf32>,
        %parallel_loop3A_157 = arith.addi %parallel_loop3A_138, %get3A_90 : vector<16xi32>
        %parallel_loop3A_158 = tpu.vector_load_idx %arg6[%parallel_loop3A_157] : memref<23328xf32, #tpu.memory_space<vmem>>[vector<16xi32>], vector<16xf32>,
        %parallel_loop3A_159 = arith.index_cast %rem3A_77 : i32 to index
        %parallel_loop3A_160 = arith.index_cast %parallel_loop3A_135 : i32 to index
        %parallel_loop3A_161 = arith.constant 48 : index
        %parallel_loop3A_162 = tpu.vector_load %arg7[%parallel_loop3A_159, %parallel_loop3A_160, %parallel_loop3A_161] {strides = array<i32>} : memref<4x32x196xf32, #tpu.memory_space<vmem>>, vector<16xf32>,
        tpu.vector_store %arg7[%parallel_loop3A_159, %parallel_loop3A_160, %parallel_loop3A_161], %parallel_loop3A_158 {strides = array<i32>} : memref<4x32x196xf32, #tpu.memory_space<vmem>>, vector<16xf32>,
        %parallel_loop3A_163 = arith.addi %parallel_loop3A_138, %get3A_93 : vector<16xi32>
        %parallel_loop3A_164 = tpu.vector_load_idx %arg6[%parallel_loop3A_163] : memref<23328xf32, #tpu.memory_space<vmem>>[vector<16xi32>], vector<16xf32>,
        %parallel_loop3A_165 = arith.index_cast %rem3A_77 : i32 to index
        %parallel_loop3A_166 = arith.index_cast %parallel_loop3A_135 : i32 to index
        %parallel_loop3A_167 = arith.constant 64 : index
        %parallel_loop3A_168 = tpu.vector_load %arg7[%parallel_loop3A_165, %parallel_loop3A_166, %parallel_loop3A_167] {strides = array<i32>} : memref<4x32x196xf32, #tpu.memory_space<vmem>>, vector<16xf32>,
        tpu.vector_store %arg7[%parallel_loop3A_165, %parallel_loop3A_166, %parallel_loop3A_167], %parallel_loop3A_164 {strides = array<i32>} : memref<4x32x196xf32, #tpu.memory_space<vmem>>, vector<16xf32>,
        %parallel_loop3A_169 = arith.addi %parallel_loop3A_138, %get3A_96 : vector<16xi32>
        %parallel_loop3A_170 = tpu.vector_load_idx %arg6[%parallel_loop3A_169] : memref<23328xf32, #tpu.memory_space<vmem>>[vector<16xi32>], vector<16xf32>,
        %parallel_loop3A_171 = arith.index_cast %rem3A_77 : i32 to index
        %parallel_loop3A_172 = arith.index_cast %parallel_loop3A_135 : i32 to index
        %parallel_loop3A_173 = arith.constant 80 : index
        %parallel_loop3A_174 = tpu.vector_load %arg7[%parallel_loop3A_171, %parallel_loop3A_172, %parallel_loop3A_173] {strides = array<i32>} : memref<4x32x196xf32, #tpu.memory_space<vmem>>, vector<16xf32>,
        tpu.vector_store %arg7[%parallel_loop3A_171, %parallel_loop3A_172, %parallel_loop3A_173], %parallel_loop3A_170 {strides = array<i32>} : memref<4x32x196xf32, #tpu.memory_space<vmem>>, vector<16xf32>,
        %parallel_loop3A_175 = arith.addi %parallel_loop3A_138, %get3A_99 : vector<16xi32>
        %parallel_loop3A_176 = tpu.vector_load_idx %arg6[%parallel_loop3A_175] : memref<23328xf32, #tpu.memory_space<vmem>>[vector<16xi32>], vector<16xf32>,
        %parallel_loop3A_177 = arith.index_cast %rem3A_77 : i32 to index
        %parallel_loop3A_178 = arith.index_cast %parallel_loop3A_135 : i32 to index
        %parallel_loop3A_179 = arith.constant 96 : index
        %parallel_loop3A_180 = tpu.vector_load %arg7[%parallel_loop3A_177, %parallel_loop3A_178, %parallel_loop3A_179] {strides = array<i32>} : memref<4x32x196xf32, #tpu.memory_space<vmem>>, vector<16xf32>,
        tpu.vector_store %arg7[%parallel_loop3A_177, %parallel_loop3A_178, %parallel_loop3A_179], %parallel_loop3A_176 {strides = array<i32>} : memref<4x32x196xf32, #tpu.memory_space<vmem>>, vector<16xf32>,
        %parallel_loop3A_181 = arith.addi %parallel_loop3A_138, %get3A_102 : vector<16xi32>
        %parallel_loop3A_182 = tpu.vector_load_idx %arg6[%parallel_loop3A_181] : memref<23328xf32, #tpu.memory_space<vmem>>[vector<16xi32>], vector<16xf32>,
        %parallel_loop3A_183 = arith.index_cast %rem3A_77 : i32 to index
        %parallel_loop3A_184 = arith.index_cast %parallel_loop3A_135 : i32 to index
        %parallel_loop3A_185 = arith.constant 112 : index
        %parallel_loop3A_186 = tpu.vector_load %arg7[%parallel_loop3A_183, %parallel_loop3A_184, %parallel_loop3A_185] {strides = array<i32>} : memref<4x32x196xf32, #tpu.memory_space<vmem>>, vector<16xf32>,
        tpu.vector_store %arg7[%parallel_loop3A_183, %parallel_loop3A_184, %parallel_loop3A_185], %parallel_loop3A_182 {strides = array<i32>} : memref<4x32x196xf32, #tpu.memory_space<vmem>>, vector<16xf32>,
        %parallel_loop3A_187 = arith.addi %parallel_loop3A_138, %get3A_105 : vector<16xi32>
        %parallel_loop3A_188 = tpu.vector_load_idx %arg6[%parallel_loop3A_187] : memref<23328xf32, #tpu.memory_space<vmem>>[vector<16xi32>], vector<16xf32>,
        %parallel_loop3A_189 = arith.index_cast %rem3A_77 : i32 to index
        %parallel_loop3A_190 = arith.index_cast %parallel_loop3A_135 : i32 to index
        %parallel_loop3A_191 = arith.constant 128 : index
        %parallel_loop3A_192 = tpu.vector_load %arg7[%parallel_loop3A_189, %parallel_loop3A_190, %parallel_loop3A_191] {strides = array<i32>} : memref<4x32x196xf32, #tpu.memory_space<vmem>>, vector<16xf32>,
        tpu.vector_store %arg7[%parallel_loop3A_189, %parallel_loop3A_190, %parallel_loop3A_191], %parallel_loop3A_188 {strides = array<i32>} : memref<4x32x196xf32, #tpu.memory_space<vmem>>, vector<16xf32>,
        %parallel_loop3A_193 = arith.addi %parallel_loop3A_138, %get3A_108 : vector<16xi32>
        %parallel_loop3A_194 = tpu.vector_load_idx %arg6[%parallel_loop3A_193] : memref<23328xf32, #tpu.memory_space<vmem>>[vector<16xi32>], vector<16xf32>,
        %parallel_loop3A_195 = arith.index_cast %rem3A_77 : i32 to index
        %parallel_loop3A_196 = arith.index_cast %parallel_loop3A_135 : i32 to index
        %parallel_loop3A_197 = arith.constant 144 : index
        %parallel_loop3A_198 = tpu.vector_load %arg7[%parallel_loop3A_195, %parallel_loop3A_196, %parallel_loop3A_197] {strides = array<i32>} : memref<4x32x196xf32, #tpu.memory_space<vmem>>, vector<16xf32>,
        tpu.vector_store %arg7[%parallel_loop3A_195, %parallel_loop3A_196, %parallel_loop3A_197], %parallel_loop3A_194 {strides = array<i32>} : memref<4x32x196xf32, #tpu.memory_space<vmem>>, vector<16xf32>,
        %parallel_loop3A_199 = arith.addi %parallel_loop3A_138, %get3A_111 : vector<16xi32>
        %parallel_loop3A_200 = tpu.vector_load_idx %arg6[%parallel_loop3A_199] : memref<23328xf32, #tpu.memory_space<vmem>>[vector<16xi32>], vector<16xf32>,
        %parallel_loop3A_201 = arith.index_cast %rem3A_77 : i32 to index
        %parallel_loop3A_202 = arith.index_cast %parallel_loop3A_135 : i32 to index
        %parallel_loop3A_203 = arith.constant 160 : index
        %parallel_loop3A_204 = tpu.vector_load %arg7[%parallel_loop3A_201, %parallel_loop3A_202, %parallel_loop3A_203] {strides = array<i32>} : memref<4x32x196xf32, #tpu.memory_space<vmem>>, vector<16xf32>,
        tpu.vector_store %arg7[%parallel_loop3A_201, %parallel_loop3A_202, %parallel_loop3A_203], %parallel_loop3A_200 {strides = array<i32>} : memref<4x32x196xf32, #tpu.memory_space<vmem>>, vector<16xf32>,
        %parallel_loop3A_205 = arith.addi %parallel_loop3A_138, %get3A_114 : vector<16xi32>
        %parallel_loop3A_206 = tpu.vector_load_idx %arg6[%parallel_loop3A_205] : memref<23328xf32, #tpu.memory_space<vmem>>[vector<16xi32>], vector<16xf32>,
        %parallel_loop3A_207 = arith.index_cast %rem3A_77 : i32 to index
        %parallel_loop3A_208 = arith.index_cast %parallel_loop3A_135 : i32 to index
        %parallel_loop3A_209 = arith.constant 176 : index
        %parallel_loop3A_210 = tpu.vector_load %arg7[%parallel_loop3A_207, %parallel_loop3A_208, %parallel_loop3A_209] {strides = array<i32>} : memref<4x32x196xf32, #tpu.memory_space<vmem>>, vector<16xf32>,
        tpu.vector_store %arg7[%parallel_loop3A_207, %parallel_loop3A_208, %parallel_loop3A_209], %parallel_loop3A_206 {strides = array<i32>} : memref<4x32x196xf32, #tpu.memory_space<vmem>>, vector<16xf32>,
        %parallel_loop3A_211 = arith.addi %parallel_loop3A_138, %get3A_117 : vector<16xi32>
        %parallel_loop3A_212 = tpu.vector_load_idx %arg6[%parallel_loop3A_211] : memref<23328xf32, #tpu.memory_space<vmem>>[vector<16xi32>], vector<16xf32>,
        %parallel_loop3A_213 = arith.index_cast %rem3A_77 : i32 to index
        %parallel_loop3A_214 = arith.index_cast %parallel_loop3A_135 : i32 to index
        %parallel_loop3A_215 = arith.constant 180 : index
        %parallel_loop3A_216 = tpu.vector_load %arg7[%parallel_loop3A_213, %parallel_loop3A_214, %parallel_loop3A_215] {strides = array<i32>} : memref<4x32x196xf32, #tpu.memory_space<vmem>>, vector<16xf32>,
        tpu.vector_store %arg7[%parallel_loop3A_213, %parallel_loop3A_214, %parallel_loop3A_215], %parallel_loop3A_212 {strides = array<i32>} : memref<4x32x196xf32, #tpu.memory_space<vmem>>, vector<16xf32>,
      } {sc.loop_unroll_factor = 4 : i64, sc.parallel_access}
      %dma_start3A = arith.constant 0 : i32
      %dma_start3A_120 = arith.constant 0 : i32
      %dma_start3A_121 = tpu.memref_slice %arg7[%rem3A_77, %dma_start3A, %dma_start3A_120] : memref<4x32x196xf32, #tpu.memory_space<vmem>> -> memref<1x32x196xf32, #tpu.memory_space<vmem>>
      %dma_start3A_122 = tpu.memref_squeeze %dma_start3A_121 : memref<1x32x196xf32, #tpu.memory_space<vmem>> -> memref<32x196xf32, #tpu.memory_space<vmem>>
      %dma_start3A_123 = arith.constant 0 : i32
      %dma_start3A_124 = arith.constant 0 : i32
      %dma_start3A_125 = tpu.memref_slice %arg4[%scan3A_76, %add3A, %dma_start3A_123, %dma_start3A_124] : memref<196x32x32x196xf32, #tpu.memory_space<hbm>> -> memref<1x1x32x196xf32, #tpu.memory_space<hbm>>
      %dma_start3A_126 = tpu.memref_squeeze %dma_start3A_125 : memref<1x1x32x196xf32, #tpu.memory_space<hbm>> -> memref<32x196xf32, #tpu.memory_space<hbm>>
      %dma_start3A_127 = arith.constant 0 : i32
      %dma_start3A_128 = arith.constant 0 : i32
      %dma_start3A_129 = tpu.memref_slice %arg4[%scan3A_76, %add3A, %dma_start3A_127, %dma_start3A_128] : memref<196x32x32x196xf32, #tpu.memory_space<hbm>> -> memref<1x1x32x196xf32, #tpu.memory_space<hbm>>
      %dma_start3A_130 = tpu.memref_squeeze %dma_start3A_129 : memref<1x1x32x196xf32, #tpu.memory_space<hbm>> -> memref<32x196xf32, #tpu.memory_space<hbm>>
      %dma_start3A_131 = arith.constant 0 : i32
      %dma_start3A_132 = arith.constant 0 : i32
      %dma_start3A_133 = tpu.memref_slice %arg7[%rem3A_77, %dma_start3A_131, %dma_start3A_132] : memref<4x32x196xf32, #tpu.memory_space<vmem>> -> memref<1x32x196xf32, #tpu.memory_space<vmem>>
      %dma_start3A_134 = tpu.memref_squeeze %dma_start3A_133 : memref<1x32x196xf32, #tpu.memory_space<vmem>> -> memref<32x196xf32, #tpu.memory_space<vmem>>
      tpu.enqueue_dma source(%dma_start3A_134 : memref<32x196xf32, #tpu.memory_space<vmem>>) target(%dma_start3A_130 : memref<32x196xf32, #tpu.memory_space<hbm>>) target_semaphore(%arg8 : memref<!tpu.dma_semaphore, #tpu.memory_space<semaphore_mem>>)
    }
    %scan3A_4 = arith.constant 196 : i32
    %dma_wait3A = arith.constant 0 : i32
    %dma_wait3A_5 = arith.constant 0 : i32
    %dma_wait3A_6 = arith.constant 0 : i32
    %dma_wait3A_7 = arith.constant 0 : i32
    %dma_wait3A_8 = tpu.memref_slice %arg7[%dma_wait3A, %dma_wait3A_6, %dma_wait3A_7] : memref<4x32x196xf32, #tpu.memory_space<vmem>> -> memref<1x32x196xf32, #tpu.memory_space<vmem>>
    %dma_wait3A_9 = tpu.memref_squeeze %dma_wait3A_8 : memref<1x32x196xf32, #tpu.memory_space<vmem>> -> memref<32x196xf32, #tpu.memory_space<vmem>>
    %dma_wait3A_10 = arith.constant 0 : i32
    %dma_wait3A_11 = arith.constant 0 : i32
    %dma_wait3A_12 = tpu.memref_slice %arg4[%dma_wait3A_5, %add3A, %dma_wait3A_10, %dma_wait3A_11] : memref<196x32x32x196xf32, #tpu.memory_space<hbm>> -> memref<1x1x32x196xf32, #tpu.memory_space<hbm>>
    %dma_wait3A_13 = tpu.memref_squeeze %dma_wait3A_12 : memref<1x1x32x196xf32, #tpu.memory_space<hbm>> -> memref<32x196xf32, #tpu.memory_space<hbm>>
    %dma_wait3A_14 = arith.constant 0 : i32
    %dma_wait3A_15 = arith.constant 0 : i32
    %dma_wait3A_16 = tpu.memref_slice %arg4[%dma_wait3A_5, %add3A, %dma_wait3A_14, %dma_wait3A_15] : memref<196x32x32x196xf32, #tpu.memory_space<hbm>> -> memref<1x1x32x196xf32, #tpu.memory_space<hbm>>
    %dma_wait3A_17 = tpu.memref_squeeze %dma_wait3A_16 : memref<1x1x32x196xf32, #tpu.memory_space<hbm>> -> memref<32x196xf32, #tpu.memory_space<hbm>>
    %dma_wait3A_18 = arith.constant 0 : i32
    %dma_wait3A_19 = arith.constant 0 : i32
    %dma_wait3A_20 = tpu.memref_slice %arg7[%dma_wait3A, %dma_wait3A_18, %dma_wait3A_19] : memref<4x32x196xf32, #tpu.memory_space<vmem>> -> memref<1x32x196xf32, #tpu.memory_space<vmem>>
    %dma_wait3A_21 = tpu.memref_squeeze %dma_wait3A_20 : memref<1x32x196xf32, #tpu.memory_space<vmem>> -> memref<32x196xf32, #tpu.memory_space<vmem>>
    tpu.wait_dma2 semaphore(%arg8 : memref<!tpu.dma_semaphore, #tpu.memory_space<semaphore_mem>>) src(%dma_wait3A_21 : memref<32x196xf32, #tpu.memory_space<vmem>>) dst(%dma_wait3A_17 : memref<32x196xf32, #tpu.memory_space<hbm>>)
    %dma_wait3A_22 = arith.constant 0 : i32
    %dma_wait3A_23 = arith.constant 0 : i32
    %dma_wait3A_24 = arith.constant 0 : i32
    %dma_wait3A_25 = arith.constant 0 : i32
    %dma_wait3A_26 = tpu.memref_slice %arg7[%dma_wait3A_22, %dma_wait3A_24, %dma_wait3A_25] : memref<4x32x196xf32, #tpu.memory_space<vmem>> -> memref<1x32x196xf32, #tpu.memory_space<vmem>>
    %dma_wait3A_27 = tpu.memref_squeeze %dma_wait3A_26 : memref<1x32x196xf32, #tpu.memory_space<vmem>> -> memref<32x196xf32, #tpu.memory_space<vmem>>
    %dma_wait3A_28 = arith.constant 0 : i32
    %dma_wait3A_29 = arith.constant 0 : i32
    %dma_wait3A_30 = tpu.memref_slice %arg4[%dma_wait3A_23, %add3A, %dma_wait3A_28, %dma_wait3A_29] : memref<196x32x32x196xf32, #tpu.memory_space<hbm>> -> memref<1x1x32x196xf32, #tpu.memory_space<hbm>>
    %dma_wait3A_31 = tpu.memref_squeeze %dma_wait3A_30 : memref<1x1x32x196xf32, #tpu.memory_space<hbm>> -> memref<32x196xf32, #tpu.memory_space<hbm>>
    %dma_wait3A_32 = arith.constant 0 : i32
    %dma_wait3A_33 = arith.constant 0 : i32
    %dma_wait3A_34 = tpu.memref_slice %arg4[%dma_wait3A_23, %add3A, %dma_wait3A_32, %dma_wait3A_33] : memref<196x32x32x196xf32, #tpu.memory_space<hbm>> -> memref<1x1x32x196xf32, #tpu.memory_space<hbm>>
    %dma_wait3A_35 = tpu.memref_squeeze %dma_wait3A_34 : memref<1x1x32x196xf32, #tpu.memory_space<hbm>> -> memref<32x196xf32, #tpu.memory_space<hbm>>
    %dma_wait3A_36 = arith.constant 0 : i32
    %dma_wait3A_37 = arith.constant 0 : i32
    %dma_wait3A_38 = tpu.memref_slice %arg7[%dma_wait3A_22, %dma_wait3A_36, %dma_wait3A_37] : memref<4x32x196xf32, #tpu.memory_space<vmem>> -> memref<1x32x196xf32, #tpu.memory_space<vmem>>
    %dma_wait3A_39 = tpu.memref_squeeze %dma_wait3A_38 : memref<1x32x196xf32, #tpu.memory_space<vmem>> -> memref<32x196xf32, #tpu.memory_space<vmem>>
    tpu.wait_dma2 semaphore(%arg8 : memref<!tpu.dma_semaphore, #tpu.memory_space<semaphore_mem>>) src(%dma_wait3A_39 : memref<32x196xf32, #tpu.memory_space<vmem>>) dst(%dma_wait3A_35 : memref<32x196xf32, #tpu.memory_space<hbm>>)
    %dma_wait3A_40 = arith.constant 0 : i32
    %dma_wait3A_41 = arith.constant 0 : i32
    %dma_wait3A_42 = arith.constant 0 : i32
    %dma_wait3A_43 = arith.constant 0 : i32
    %dma_wait3A_44 = tpu.memref_slice %arg7[%dma_wait3A_40, %dma_wait3A_42, %dma_wait3A_43] : memref<4x32x196xf32, #tpu.memory_space<vmem>> -> memref<1x32x196xf32, #tpu.memory_space<vmem>>
    %dma_wait3A_45 = tpu.memref_squeeze %dma_wait3A_44 : memref<1x32x196xf32, #tpu.memory_space<vmem>> -> memref<32x196xf32, #tpu.memory_space<vmem>>
    %dma_wait3A_46 = arith.constant 0 : i32
    %dma_wait3A_47 = arith.constant 0 : i32
    %dma_wait3A_48 = tpu.memref_slice %arg4[%dma_wait3A_41, %add3A, %dma_wait3A_46, %dma_wait3A_47] : memref<196x32x32x196xf32, #tpu.memory_space<hbm>> -> memref<1x1x32x196xf32, #tpu.memory_space<hbm>>
    %dma_wait3A_49 = tpu.memref_squeeze %dma_wait3A_48 : memref<1x1x32x196xf32, #tpu.memory_space<hbm>> -> memref<32x196xf32, #tpu.memory_space<hbm>>
    %dma_wait3A_50 = arith.constant 0 : i32
    %dma_wait3A_51 = arith.constant 0 : i32
    %dma_wait3A_52 = tpu.memref_slice %arg4[%dma_wait3A_41, %add3A, %dma_wait3A_50, %dma_wait3A_51] : memref<196x32x32x196xf32, #tpu.memory_space<hbm>> -> memref<1x1x32x196xf32, #tpu.memory_space<hbm>>
    %dma_wait3A_53 = tpu.memref_squeeze %dma_wait3A_52 : memref<1x1x32x196xf32, #tpu.memory_space<hbm>> -> memref<32x196xf32, #tpu.memory_space<hbm>>
    %dma_wait3A_54 = arith.constant 0 : i32
    %dma_wait3A_55 = arith.constant 0 : i32
    %dma_wait3A_56 = tpu.memref_slice %arg7[%dma_wait3A_40, %dma_wait3A_54, %dma_wait3A_55] : memref<4x32x196xf32, #tpu.memory_space<vmem>> -> memref<1x32x196xf32, #tpu.memory_space<vmem>>
    %dma_wait3A_57 = tpu.memref_squeeze %dma_wait3A_56 : memref<1x32x196xf32, #tpu.memory_space<vmem>> -> memref<32x196xf32, #tpu.memory_space<vmem>>
    tpu.wait_dma2 semaphore(%arg8 : memref<!tpu.dma_semaphore, #tpu.memory_space<semaphore_mem>>) src(%dma_wait3A_57 : memref<32x196xf32, #tpu.memory_space<vmem>>) dst(%dma_wait3A_53 : memref<32x196xf32, #tpu.memory_space<hbm>>)
    %dma_wait3A_58 = arith.constant 0 : i32
    %dma_wait3A_59 = arith.constant 0 : i32
    %dma_wait3A_60 = arith.constant 0 : i32
    %dma_wait3A_61 = arith.constant 0 : i32
    %dma_wait3A_62 = tpu.memref_slice %arg7[%dma_wait3A_58, %dma_wait3A_60, %dma_wait3A_61] : memref<4x32x196xf32, #tpu.memory_space<vmem>> -> memref<1x32x196xf32, #tpu.memory_space<vmem>>
    %dma_wait3A_63 = tpu.memref_squeeze %dma_wait3A_62 : memref<1x32x196xf32, #tpu.memory_space<vmem>> -> memref<32x196xf32, #tpu.memory_space<vmem>>
    %dma_wait3A_64 = arith.constant 0 : i32
    %dma_wait3A_65 = arith.constant 0 : i32
    %dma_wait3A_66 = tpu.memref_slice %arg4[%dma_wait3A_59, %add3A, %dma_wait3A_64, %dma_wait3A_65] : memref<196x32x32x196xf32, #tpu.memory_space<hbm>> -> memref<1x1x32x196xf32, #tpu.memory_space<hbm>>
    %dma_wait3A_67 = tpu.memref_squeeze %dma_wait3A_66 : memref<1x1x32x196xf32, #tpu.memory_space<hbm>> -> memref<32x196xf32, #tpu.memory_space<hbm>>
    %dma_wait3A_68 = arith.constant 0 : i32
    %dma_wait3A_69 = arith.constant 0 : i32
    %dma_wait3A_70 = tpu.memref_slice %arg4[%dma_wait3A_59, %add3A, %dma_wait3A_68, %dma_wait3A_69] : memref<196x32x32x196xf32, #tpu.memory_space<hbm>> -> memref<1x1x32x196xf32, #tpu.memory_space<hbm>>
    %dma_wait3A_71 = tpu.memref_squeeze %dma_wait3A_70 : memref<1x1x32x196xf32, #tpu.memory_space<hbm>> -> memref<32x196xf32, #tpu.memory_space<hbm>>
    %dma_wait3A_72 = arith.constant 0 : i32
    %dma_wait3A_73 = arith.constant 0 : i32
    %dma_wait3A_74 = tpu.memref_slice %arg7[%dma_wait3A_58, %dma_wait3A_72, %dma_wait3A_73] : memref<4x32x196xf32, #tpu.memory_space<vmem>> -> memref<1x32x196xf32, #tpu.memory_space<vmem>>
    %dma_wait3A_75 = tpu.memref_squeeze %dma_wait3A_74 : memref<1x32x196xf32, #tpu.memory_space<vmem>> -> memref<32x196xf32, #tpu.memory_space<vmem>>
    tpu.wait_dma2 semaphore(%arg8 : memref<!tpu.dma_semaphore, #tpu.memory_space<semaphore_mem>>) src(%dma_wait3A_75 : memref<32x196xf32, #tpu.memory_space<vmem>>) dst(%dma_wait3A_71 : memref<32x196xf32, #tpu.memory_space<hbm>>)
    return
  }
}

</mosaic_0001>

<sc_bundles>
// kernel: kernel.3.cloned.1.call-start
scs
__scs_entry_jumppad:
0x0: {  	(pc) =	sbr.rel $0x88, $3  }
0x1: {  	(tag) =	ssettag $0x0;
	lr =	simm.s32 $0x1  }
0x2: {  	[smem:$0x3F9F] =	sst lr;
	_ =	strace $0xD0000000  }
0x3: {  	_ = 	snop  }
0x4: {  	_ = 	snop  }
0x5: {  	_ = 	snop  }
0x6: {  	_ = 	snop  }
0x7: {  	_ = 	snop  }
__scs_overlays_trampoline_lowered:
0x8: {  	[smem:$0x3FAE] =	sst s0  }
0x9: {  	[smem:$0x3FAF] =	sst s1  }
0xa: {  	[smem:$0x3FB0] =	sst s2  }
0xb: {  	[smem:$0x3FB1] =	sst s3  }
0xc: {  	[smem:$0x3FB2] =	sst s4  }
0xd: {  	[smem:$0x3FB3] =	sst s5  }
0xe: {  	[smem:$0x3FB4] =	sst s6  }
0xf: {  	[smem:$0x3FB5] =	sst s7  }
0x10: {  	[smem:$0x3FB6] =	sst s8  }
0x11: {  	[smem:$0x3FB7] =	sst s9;
	s0 =	simm.s32 @!p0 $0x0  }
0x12: {  	s1 =	sld [smem:$0x3F9D];
	s0 =	simm.s32 @p0 $0x1  }
0x13: {  	[smem:$0x3FB8] =	sst s0;
	s0 =	simm.s32 @!p1 $0x0  }
0x14: {  	s2 =	sld [smem:$0x3F9C];
	s0 =	simm.s32 @p1 $0x1  }
0x15: {  	[smem:$0x3FB9] =	sst s0;
	s0 =	simm.s32 @!p2 $0x0  }
0x16: {  	s3 =	sld [smem:$0x3FDB];
	s0 =	simm.s32 @p2 $0x1  }
0x17: {  	s4 =	simm.s32 $0x1BF5;
	[smem:$0x3FBB] =	sst s0  }
0x18: {  	s0 =	sld [smem:$0x3F9E];
	_ =	swait.ge [sflag:s4], $0x0  }
0x19: {  	s7 =	sld [smem:$0x3F9F]  }
0x1a: {  	s8 =	sadd.s32 $0xFFFFE003, lr  }
0x1b: {  	s9 =	sadd.s32 $0xFFFFFEF7, lr;
	s5 =	simm.s32 $0xFFFFFFFF;
	p2 =	slt.u32 s8, $0xFFFFF086  }
0x1c: {  	p1 =	slt.u32 s9, $0xF7A;
	s5 =	simm.s32 @!p2 $0x0  }
0x1d: {  	s5 =	simm.s32 @p1 $0x1;
	p0 =	seq.s32 s7, s2  }
0x1e: {  	s7 =	smul.u32 @!p0 $0xF7A, s2;
	p2 =	seq.s32 @!p0 s5, $0x0  }
0x1f: {  	s9 =	smul.u32 $0xF7A, s1;
	s8 =	simm.s32 @!p0 $0x1BF5;
	p2 =	por !p2, p0  }
0x20: {  	[sflag:s8] =	ssyncset.s32 @!p0 $0xFFFFF086;
	s6 =	sadd.s32 @!p0 s3, s7;
	s7 =	simm.s32 @!p0 $0x108  }
0x21: {  	s3 =	sadd.s32 s3, s9;
	s6 =	sadd.s32 @!p0 $0x88, s6;
	s7 =	simm.s32 @p2 $0x1082  }
0x22: {  	[simem:s7], [sflag:s8] =	dma.local @!p0 [hbm:s6], $0xF7A  }
0x23: {  	s9 =	sor.u32 $0xD0000000, s2;
	s6 =	simm.s32 $0x108;
	_ =	swait.ge @!p0 [sflag:s8], $0x0  }
0x24: {  	s3 =	sadd.s32 $0x88, s3;
	s6 =	simm.s32 @!p1 $0x1082;
	[sflag:s4] =	ssyncset.s32 $0xFFFFF086  }
0x25: {  	[simem:s6], [sflag:s4] =	dma.local [hbm:s3], $0xF7A  }
0x26: {  	[smem:$0x3F9F] =	sst s1;
	(tag) =	ssettag s2;
	_ =	strace s9  }
0x27: {  	s1 =	sld [smem:$0x3FAF]  }
0x28: {  	s2 =	sld [smem:$0x3FB0]  }
0x29: {  	s4 =	sld [smem:$0x3FB2]  }
0x2a: {  	p0 =	seq.s32 s5, $0x0;
	s5 =	sld [smem:$0x3FB3]  }
0x2b: {  	s6 =	sld [smem:$0x3FB4]  }
0x2c: {  	s7 =	sld [smem:$0x3FB5]  }
0x2d: {  	s3 =	simm.s32 $0x108;
	s8 =	sld [smem:$0x3FB6]  }
0x2e: {  	s3 =	simm.s32 @!p0 $0x1082;
	s9 =	sld [smem:$0x3FB7]  }
0x2f: {  	lr =	sadd.s32 s0, s3;
	s0 =	sld [smem:$0x3FAE]  }
0x30: {  	s3 =	sld [smem:$0x3FB1]  }
0x31: {  	[smem:$0x3FBA] =	sst s10  }
0x32: {  	s10 =	sld [smem:$0x3FB8];
	_ =	sdelay $0x3  }
0x33: {  	p0 =	seq.s32 s10, $0x1;
	s10 =	sld [smem:$0x3FBA];
	_ =	sdelay $0x3  }
0x34: {  	[smem:$0x3FBA] =	sst s10  }
0x35: {  	s10 =	sld [smem:$0x3FB9];
	_ =	sdelay $0x3  }
0x36: {  	p1 =	seq.s32 s10, $0x1;
	s10 =	sld [smem:$0x3FBA];
	_ =	sdelay $0x3  }
0x37: {  	[smem:$0x3FBA] =	sst s10  }
0x38: {  	s10 =	sld [smem:$0x3FBB]  }
0x39: {  	_ = 	snop;
	(pc) =	sbr.ind lr, $3  }
0x3a: {  	_ = 	snop  }
0x3b: {  	_ = 	snop  }
0x3c: {  	p2 =	seq.s32 s10, $0x1;
	s10 =	sld [smem:$0x3FBA]  }
0x3d: {  	_ =	shalt  }
0x3e: {  	_ =	shalt  }
0x3f: {  	_ =	shalt  }
0x40: {  	_ =	shalt  }
0x41: {  	_ =	shalt  }
0x42: {  	_ =	shalt  }
0x43: {  	_ =	shalt  }
0x44: {  	_ =	shalt  }
0x45: {  	_ =	shalt  }
0x46: {  	_ =	shalt  }
0x47: {  	_ =	shalt  }
0x48: {  	_ =	shalt  }
0x49: {  	_ =	shalt  }
0x4a: {  	_ =	shalt  }
0x4b: {  	_ =	shalt  }
0x4c: {  	_ =	shalt  }
0x4d: {  	_ =	shalt  }
0x4e: {  	_ =	shalt  }
0x4f: {  	_ =	shalt  }
0x50: {  	_ =	shalt  }
0x51: {  	_ =	shalt  }
0x52: {  	_ =	shalt  }
0x53: {  	_ =	shalt  }
0x54: {  	_ =	shalt  }
0x55: {  	_ =	shalt  }
0x56: {  	_ =	shalt  }
0x57: {  	_ =	shalt  }
0x58: {  	_ =	shalt  }
0x59: {  	_ =	shalt  }
0x5a: {  	_ =	shalt  }
0x5b: {  	_ =	shalt  }
0x5c: {  	_ =	shalt  }
0x5d: {  	_ =	shalt  }
0x5e: {  	_ =	shalt  }
0x5f: {  	_ =	shalt  }
0x60: {  	_ =	shalt  }
0x61: {  	_ =	shalt  }
0x62: {  	_ =	shalt  }
0x63: {  	_ =	shalt  }
0x64: {  	_ =	shalt  }
0x65: {  	_ =	shalt  }
0x66: {  	_ =	shalt  }
0x67: {  	_ =	shalt  }
0x68: {  	_ =	shalt  }
0x69: {  	_ =	shalt  }
0x6a: {  	_ =	shalt  }
0x6b: {  	_ =	shalt  }
0x6c: {  	_ =	shalt  }
0x6d: {  	_ =	shalt  }
0x6e: {  	_ =	shalt  }
0x6f: {  	_ =	shalt  }
0x70: {  	_ =	shalt  }
0x71: {  	_ =	shalt  }
0x72: {  	_ =	shalt  }
0x73: {  	_ =	shalt  }
0x74: {  	_ =	shalt  }
0x75: {  	_ =	shalt  }
0x76: {  	_ =	shalt  }
0x77: {  	_ =	shalt  }
0x78: {  	_ =	shalt  }
0x79: {  	_ =	shalt  }
0x7a: {  	_ =	shalt  }
0x7b: {  	_ =	shalt  }
0x7c: {  	_ =	shalt  }
0x7d: {  	_ =	shalt  }
0x7e: {  	_ =	shalt  }
0x7f: {  	_ =	shalt  }
0x80: {  	_ =	shalt  }
0x81: {  	_ =	shalt  }
0x82: {  	_ =	shalt  }
0x83: {  	_ =	shalt  }
0x84: {  	_ =	shalt  }
0x85: {  	_ =	shalt  }
0x86: {  	_ =	shalt  }
0x87: {  	_ =	shalt  }
.Lfunc_end0:
.L_simem_size_0:
called_computation_lowered:
.L_overlay_start_0:
0x88: {  	s2 =	sld [smem:$0x3FD9]  }
0x89: {  	s3 =	sld [smem:$0x3FFE];
	_ =	sdelay $0x1  }
0x8a: {  	s1 =	srdreg.scid  }
0x8b: {  	s0 =	sand.u32 $0x1, s1  }
0x8c: {  	s17 =	sshll.u32 s0, $0xA;
	s2 =	sadd.s32 s3, s2  }
0x8d: {  	s2 =	sadd.s32 s2, s17  }
0x8e: {  	[smem:$0x3FC6] =	sst s2  }
0x8f: {  	_ = 	snop  }
0x90: {  	s2 =	sld [smem:$0x3FC8]  }
0x91: {  	s18 =	sld [smem:$0x3FD0];
	(tm) =	ssettm $0x1  }
0x92: {  	s4 =	sld [smem:$0x3FFB];
	_ =	sdelay $0x3  }
0x93: {  	_ =	strace s4  }
0x94: {  	s4 =	sld [smem:$0x3FFC];
	_ =	sdelay $0x3  }
0x95: {  	_ =	strace s4  }
0x96: {  	s4 =	sld [smem:$0x3FFD];
	_ =	sdelay $0x3  }
0x97: {  	_ =	strace s4  }
0x98: {  	_ =	strace $0x8FFFFFFF  }
0x99: {  	s19 =	sld [smem:$0x3FDB];
	_ =	sdelay $0x1  }
0x9a: {  	s5 =	simm.s32 $_scs_section_size  }
0x9b: {  	s6 =	simm.s32 $_size__tile_overlayer_lowered;
	s7 =	simm.s32 $_tile_overlayer_lowered  }
0x9c: {  	s22 =	simm.s32 $0x1BFF;
	s21 =	sshll.u32 s7, $0x1;
	s4 =	sadd.s32 s5, s19  }
0x9d: {  	s8 =	simm.s32 $0x0;
	s20 =	sshll.u32 s6, $0x1;
	s6 =	sadd.s32 s21, s4  }
0x9e: {  	[timem:s8], [sflag:s22] =	dma.local [hbm:s6], s20  }
0x9f: {  	_ =	swait.ge [sflag:s22], s20  }
0xa0: {  	s5 =	ssub.s32 $0x0, s20;
	[sflag:s22] =	ssyncset.done $0x0  }
0xa1: {  	[sflag:s22] =	ssyncadd.s32 s5;
	_ =	sdelay $0x1  }
0xa2: {  	s23 =	simm.s32 $0x1B8B  }
0xa3: {  	_ =	swait.ge [sflag:s23], $0x1  }
0xa4: {  	[sflag:s23] =	ssyncset.done $0x0  }
0xa5: {  	s25 =	simm.s32 $0x1B8E;
	s24 =	sld [smem:$0x3FFE];
	[sflag:s23] =	ssyncadd.s32 $0xFFFFFFFF  }
0xa6: {  	s26 =	simm.s32 $execute0_lowered;
	[smem:$0x3FD2] =	sst s25  }
0xa7: {  	s6 =	sshll.u32 s26, $0x1;
	_ =	strace $0x80000046;
	[dreg:$0x1] =	wrdreg $0xFFFFFFFF  }
0xa8: {  	s28 =	simm.s32 $_size_execute0_lowered;
	s4 =	sadd.s32 s4, s6;
	[dreg:$0x0] =	wrdreg $0x0  }
0xa9: {  	s6 =	sshll.u32 s28, $0x1;
	[dreg:$0x2] =	wrdreg s4  }
0xaa: {  	[dreg:$0x3] =	wrdreg s6  }
0xab: {  	[dreg:$0x4] =	wrdreg $0xC0  }
0xac: {  	_ =	task [dreg:s8], $0x5FFFF  }
0xad: {  	[dreg:$0x1] =	wrdreg $0xFFFFFFFF  }
0xae: {  	[dreg:$0x0] =	wrdreg $0x60  }
0xaf: {  	[dreg:$0x2] =	wrdreg s24  }
0xb0: {  	[dreg:$0x3] =	wrdreg s2  }
0xb1: {  	[dreg:$0x4] =	wrdreg s18  }
0xb2: {  	[dreg:$0x5] =	wrdreg $0x9  }
0xb3: {  	_ =	task.clear_ibuf [dreg:s8], $0x6FFFF;
	_ =	strace $0x90000046  }
0xb4: {  	s29 =	simm.s32 $0x9;
	_ =	strace $0x80000048  }
0xb5: {  	_ =	swait.ge [sflag:s29], $0x1  }
0xb6: {  	[sflag:s29] =	ssyncadd.s32 $0xFFFFFFFF  }
0xb7: {  	_ =	strace $0x90000048  }
0xb8: {  	_ =	sfence  }
0xb9: {  	s30 =	sld [smem:$0x0];
	_ =	sdelay $0x2  }
0xba: {  	s31 =	sshll.u32 s1, $0xD;
	s1 =	sshrl.u32 s1, $0x2  }
0xbb: {  	s3 =	sand.u32 $0x4000, s31;
	s1 =	sadd.s32 s1, s30  }
0xbc: {  	s0 =	sor.u32 s3, s0;
	s1 =	sshll.u32 s1, $0x11  }
0xbd: {  	s0 =	sor.u32 s1, s0  }
0xbe: {  	s0 =	sadd.s32 $0x8F2B, s0  }
0xbf: {  	[sflag:s0] =	ssyncadd.remote.s32 $0x1  }
0xc0: {  	_ =	sfence.sel $0xFFFF  }
0xc1: {  	[dreg:$0x0] =	wrdreg $0xFFFFFFFF;
	(pc) =	sbr.abs _section_cstart, $3  }
0xc2: {  	[dreg:$0x1] =	wrdreg $0xFFFFFFFF  }
0xc3: {  	_ =	task.clear_ibuf [dreg:s8], $0x2FFFF;
	_ =	strace $0x9FFFFFFF  }
0xc4: {  	(tm) =	ssettm $0x7FFFFFFF  }
0xc5: {  	_ =	shalt  }
tec
execute0_lowered:
.L_overlay_start_1:
0x0: {  	(tag) =	ssettag $0x1  }
0x1: {  	s0 =	srdreg.scid;
	s3 =	stileid.u32  }
0x2: {  	s0 =	sand.u32 $0x1, s0;
	s2 =	sshll.u32 s3, $0x1  }
0x3: {  	s1 =	rddreg [dreg:$0x0];
	s3 =	sshrl.u32 s3, $0x2;
	s2 =	sor.u32 s0, s2  }
0x4: {  	s4 =	rddreg [dreg:$0x2];
	s5 =	smul.u32 $0x2DC00, s3;
	s6 =	sshll.u32 s2, $0x7  }
0x5: {  	s10 =	simm.s32 $0xC800;
	s0 =	ssub.s32 $0x2, s0;
	s6 =	sand.u32 $0x380, s6  }
0x6: {  	s3 =	simm.s32 $0x0;
	s31 =	sshrl.u32 s0, $0x1;
	s5 =	sor.u32 s5, s6  }
0x7: {  	[smem:$0x7FF] =	sst s3;
	s0 =	ssub.s32 s0, s31;
	s5 =	sshrl.u32 s5, $0x3  }
0x8: {  	s2 =	sshll.u32 s2, $0xA;
	s0 =	smax.u32 s0, $0x1;
	s1 =	sadd.s32 s5, s1  }
0x9: {  	_ =	strace $0x80000047;
	[dreg:$0x5] =	wrdreg s0;
	s1 =	sadd.s32 $0x400, s1  }
0xa: {  	s12 =	simm.s32 $0x0;
	s5 =	sadd.s32 s4, s2;
	[dreg:$0x4] =	wrdreg s1  }
.LBB2_1:
0xb: {  	s0 =	rddreg [dreg:$0x1];
	s1 =	simm.s32 $0x2  }
0xc: {  	[tilespmem:s3], [sflag:$0x2] =	stream.linear.gather [hbm4b:s0+s3], $0xC800, $0x38;
	[tilespmem:$0x1A380] =	vst v63  }
0xd: {  	_ =	swait.ge [sflag:s1], $0xC800  }
0xe: {  	s2 =	simm.s32 $0x80;
	[sflag:s1] =	ssyncset.done $0x0  }
0xf: {  	s4 =	simm.s32 $0x400;
	s31 =	rddreg [dreg:$0x4];
	[sflag:s1] =	ssyncadd.s32 $0xFFFF3800  }
0x10: {  	[tilespmem:s10], [sflag:$0x2] =	stream.strided.gather [hbm4b:s31+s2], $0x5B80, s4, s2, $0x38;
	[tilespmem:$0x1A380] =	vst v63  }
0x11: {  	_ =	swait.ge [sflag:s1], $0x5B80  }
0x12: {  	[sflag:s1] =	ssyncset.done $0x0  }
0x13: {  	s13 =	simm.s32 $0x0;
	[sflag:s1] =	ssyncadd.s32 $0xFFFFA480  }
.LBB2_2:
0x14: {  	p0 =	slt.u32 s13, $0x4  }
0x15: {  	s0 =	simm.s32 @!p0 $0x1  }
0x16: {  	s1 =	sshll.u32 s13, $0x8;
	s2 =	sshll.u32 s13, $0x7;
	_ =	swait.ge @!p0 [sflag:s0], $0x2000  }
0x17: {  	s1 =	sand.u32 $0xF800, s1;
	s2 =	sand.u32 $0x380, s2;
	[sflag:s0] =	ssyncset.done @!p0 $0x0  }
0x18: {  	s2 =	sor.u32 s2, s1;
	[sflag:s0] =	ssyncadd.s32 @!p0 $0xFFFFE000  }
0x19: {  	v5 =	vld [tilespmem:s2+$0x0]  }
0x1a: {  	v6 =	vld [tilespmem:s2+$0x10]  }
0x1b: {  	v7 =	vld [tilespmem:s2+$0x20]  }
0x1c: {  	v8 =	vld [tilespmem:s2+$0x30]  }
0x1d: {  	s16 =	simm.s32 $0x0;
	v9 =	vld [tilespmem:s2+$0x40]  }
0x1e: {  	v11 =	vld [tilespmem:s2+$0x50];
	v0 =	vadd.s32 s16, v5  }
0x1f: {  	s0 =	simm.s32 $0x88B;
	v12 =	vld [tilespmem:s2+$0x60]  }
0x20: {  	s1 =	simm.s32 $0x5B2;
	v10 =	vld [tilespmem:s2+$0x70];
	v13 =	vadd.s32 s0, v5  }
0x21: {  	v4 =	vld [tilespmem:s2+$0x400];
	v14 =	vadd.s32 s1, v5  }
0x22: {  	v3 =	vld [tilespmem:s2+$0x410]  }
0x23: {  	s4 =	sshll.u32 s13, $0xD;
	v15 =	vld.idx.msk [tilespmem:v0+s10+$0x0], $0xffff  }
0x24: {  	s8 =	simm.s32 $0x0;
	s17 =	simm.s32 $0x2D9;
	s4 =	sand.u32 $0x6000, s4;
	v2 =	vld [tilespmem:s2+$0x420];
	v16 =	vadd.s32 s16, v6  }
0x25: {  	s23 =	simm.s32 $0x0;
	s22 =	sand.u32 $0x1800, s8;
	s14 =	sadd.s32 $0x12380, s4;
	v17 =	vadd.s32 s17, v5;
	v13 =	vld.idx.msk [tilespmem:v13+s10+$0x0], $0xffff  }
0x26: {  	s8 =	sand.u32 $0x200, s23;
	s4 =	sadd.s32 s22, s14;
	v18 =	vadd.s32 s0, v6;
	v14 =	vld.idx.msk [tilespmem:v14+s10+$0x0], $0xffff  }
0x27: {  	s24 =	simm.s32 $0x180;
	s15 =	sadd.s32 s8, s4;
	v1 =	vld [tilespmem:s2+$0x430];
	v19 =	vadd.s32 s1, v6  }
0x28: {  	s25 =	simm.s32 $0x100;
	v0 =	vld [tilespmem:s2+$0x434];
	s2 =	sand.u32 $0x380, s24;
	[tilespmem:s15+$0x0] =	vst v15  }
0x29: {  	s26 =	sand.u32 $0x300, s25;
	s19 =	sadd.s32 s2, s4;
	v15 =	vld.idx.msk [tilespmem:v16+s10+$0x0], $0xffff  }
0x2a: {  	s20 =	sadd.s32 s26, s4;
	[tilespmem:s19+$0x0] =	vst v13;
	v13 =	vadd.s32 s16, v7;
	v16 =	vld.idx.msk [tilespmem:v17+s10+$0x0], $0xffff  }
0x2b: {  	[tilespmem:s20+$0x0] =	vst v14;
	v17 =	vadd.s32 s17, v6;
	v18 =	vld.idx.msk [tilespmem:v18+s10+$0x0], $0xffff  }
0x2c: {  	s6 =	simm.s32 $0x80;
	v14 =	vadd.s32 s0, v7;
	v19 =	vld.idx.msk [tilespmem:v19+s10+$0x0], $0xffff  }
0x2d: {  	v20 =	vadd.s32 s1, v7;
	s2 =	sand.u32 $0x280, s6  }
0x2e: {  	s18 =	sadd.s32 s2, s4;
	[tilespmem:s15+$0x10] =	vst v15  }
0x2f: {  	[tilespmem:s18+$0x0] =	vst v16;
	v13 =	vld.idx.msk [tilespmem:v13+s10+$0x0], $0xffff  }
0x30: {  	[tilespmem:s19+$0x10] =	vst v18;
	v15 =	vld.idx.msk [tilespmem:v17+s10+$0x0], $0xffff  }
0x31: {  	v16 =	vadd.s32 s16, v8;
	[tilespmem:s20+$0x10] =	vst v19;
	v14 =	vld.idx.msk [tilespmem:v14+s10+$0x0], $0xffff  }
0x32: {  	v17 =	vadd.s32 s17, v7;
	v19 =	vld.idx.msk [tilespmem:v20+s10+$0x0], $0xffff  }
0x33: {  	v20 =	vadd.s32 s1, v8  }
0x34: {  	v18 =	vadd.s32 s0, v8;
	[tilespmem:s15+$0x20] =	vst v13  }
0x35: {  	[tilespmem:s18+$0x10] =	vst v15  }
0x36: {  	[tilespmem:s19+$0x20] =	vst v14;
	v13 =	vld.idx.msk [tilespmem:v16+s10+$0x0], $0xffff  }
0x37: {  	v14 =	vadd.s32 s16, v9;
	[tilespmem:s20+$0x20] =	vst v19;
	v15 =	vld.idx.msk [tilespmem:v17+s10+$0x0], $0xffff  }
0x38: {  	v16 =	vadd.s32 s17, v8;
	v19 =	vld.idx.msk [tilespmem:v20+s10+$0x0], $0xffff  }
0x39: {  	v17 =	vld.idx.msk [tilespmem:v18+s10+$0x0], $0xffff;
	v20 =	vadd.s32 s1, v9  }
0x3a: {  	v18 =	vadd.s32 s0, v9  }
0x3b: {  	[tilespmem:s15+$0x30] =	vst v13  }
0x3c: {  	[tilespmem:s18+$0x20] =	vst v15;
	v13 =	vld.idx.msk [tilespmem:v14+s10+$0x0], $0xffff  }
0x3d: {  	v15 =	vadd.s32 s16, v11;
	[tilespmem:s20+$0x30] =	vst v19;
	v14 =	vld.idx.msk [tilespmem:v16+s10+$0x0], $0xffff  }
0x3e: {  	[tilespmem:s19+$0x30] =	vst v17;
	v16 =	vadd.s32 s17, v9;
	v19 =	vld.idx.msk [tilespmem:v20+s10+$0x0], $0xffff  }
0x3f: {  	v17 =	vld.idx.msk [tilespmem:v18+s10+$0x0], $0xffff;
	v20 =	vadd.s32 s1, v11  }
0x40: {  	v18 =	vadd.s32 s0, v11  }
0x41: {  	[tilespmem:s15+$0x40] =	vst v13  }
0x42: {  	[tilespmem:s18+$0x30] =	vst v14;
	v13 =	vld.idx.msk [tilespmem:v15+s10+$0x0], $0xffff  }
0x43: {  	[tilespmem:s20+$0x40] =	vst v19;
	v14 =	vld.idx.msk [tilespmem:v16+s10+$0x0], $0xffff  }
0x44: {  	[tilespmem:s19+$0x40] =	vst v17;
	v19 =	vld.idx.msk [tilespmem:v20+s10+$0x0], $0xffff  }
0x45: {  	v15 =	vadd.s32 s16, v12;
	v17 =	vld.idx.msk [tilespmem:v18+s10+$0x0], $0xffff  }
0x46: {  	v18 =	vadd.s32 s0, v12  }
0x47: {  	s21 =	simm.s32 $0x13EF;
	v16 =	vadd.s32 s17, v11;
	[tilespmem:s15+$0x50] =	vst v13  }
0x48: {  	s25 =	simm.s32 $0x1116;
	v13 =	vadd.s32 s21, v5;
	[tilespmem:s18+$0x40] =	vst v14  }
0x49: {  	s22 =	simm.s32 $0xB64;
	[tilespmem:s20+$0x50] =	vst v19;
	v19 =	vadd.s32 s25, v5  }
0x4a: {  	s23 =	simm.s32 $0xE3D;
	[tilespmem:s19+$0x50] =	vst v17;
	v14 =	vld.idx.msk [tilespmem:v15+s10+$0x0], $0xffff;
	v15 =	vadd.s32 s22, v5  }
0x4b: {  	v21 =	vadd.s32 s23, v5;
	v18 =	vld.idx.msk [tilespmem:v18+s10+$0x0], $0xffff  }
0x4c: {  	v17 =	vadd.s32 s16, v10;
	v16 =	vld.idx.msk [tilespmem:v16+s10+$0x0], $0xffff  }
0x4d: {  	v22 =	vadd.s32 s0, v10;
	v13 =	vld.idx.msk [tilespmem:v13+s10+$0x0], $0xffff  }
0x4e: {  	s30 =	simm.s32 $0x400;
	s31 =	simm.s32 $0x380;
	s11 =	simm.s32 $0x300;
	v20 =	vadd.s32 s1, v12;
	v19 =	vld.idx.msk [tilespmem:v19+s10+$0x0], $0xffff  }
0x4f: {  	s7 =	sand.u32 $0x1800, s30;
	s9 =	sand.u32 $0x380, s31;
	s8 =	simm.s32 $0x200;
	[tilespmem:s15+$0x60] =	vst v14;
	v14 =	vld.idx.msk [tilespmem:v15+s10+$0x0], $0xffff;
	v15 =	vadd.s32 s21, v6  }
0x50: {  	s26 =	simm.s32 $0x280;
	s2 =	sadd.s32 s7, s14;
	s4 =	sand.u32 $0x200, s8;
	[tilespmem:s19+$0x60] =	vst v18;
	v18 =	vld.idx.msk [tilespmem:v21+s10+$0x0], $0xffff;
	v21 =	vadd.s32 s25, v6  }
0x51: {  	v23 =	vadd.s32 s22, v6;
	s29 =	sadd.s32 s9, s2;
	s24 =	sadd.s32 s4, s2;
	s4 =	sand.u32 $0x300, s11;
	[tilespmem:s18+$0x50] =	vst v16;
	v17 =	vld.idx.msk [tilespmem:v17+s10+$0x0], $0xffff  }
0x52: {  	v24 =	vadd.s32 s23, v6;
	s8 =	sand.u32 $0x280, s26;
	s26 =	sadd.s32 s4, s2;
	v22 =	vld.idx.msk [tilespmem:v22+s10+$0x0], $0xffff;
	[tilespmem:s29+$0x0] =	vst v13  }
0x53: {  	v20 =	vld.idx.msk [tilespmem:v20+s10+$0x0], $0xffff;
	v16 =	vadd.s32 s16, v4;
	[tilespmem:s26+$0x0] =	vst v19  }
0x54: {  	s28 =	sadd.s32 s8, s2;
	[tilespmem:s24+$0x0] =	vst v14;
	v13 =	vld.idx.msk [tilespmem:v15+s10+$0x0], $0xffff;
	v14 =	vadd.s32 s0, v4  }
0x55: {  	v21 =	vld.idx.msk [tilespmem:v21+s10+$0x0], $0xffff;
	[tilespmem:s28+$0x0] =	vst v18;
	v18 =	vadd.s32 s1, v10  }
0x56: {  	[tilespmem:s15+$0x70] =	vst v17;
	v15 =	vld.idx.msk [tilespmem:v23+s10+$0x0], $0xffff;
	v17 =	vadd.s32 s21, v7  }
0x57: {  	[tilespmem:s19+$0x70] =	vst v22;
	v22 =	vld.idx.msk [tilespmem:v24+s10+$0x0], $0xffff;
	v23 =	vadd.s32 s25, v7  }
0x58: {  	[tilespmem:s20+$0x60] =	vst v20;
	v19 =	vadd.s32 s22, v7;
	v16 =	vld.idx.msk [tilespmem:v16+s10+$0x0], $0xffff  }
0x59: {  	v14 =	vld.idx.msk [tilespmem:v14+s10+$0x0], $0xffff;
	[tilespmem:s29+$0x10] =	vst v13  }
0x5a: {  	v24 =	vadd.s32 s23, v7;
	[tilespmem:s26+$0x10] =	vst v21;
	v18 =	vld.idx.msk [tilespmem:v18+s10+$0x0], $0xffff  }
0x5b: {  	[tilespmem:s24+$0x10] =	vst v15;
	v13 =	vld.idx.msk [tilespmem:v17+s10+$0x0], $0xffff;
	v15 =	vadd.s32 s17, v12  }
0x5c: {  	[tilespmem:s28+$0x10] =	vst v22;
	v22 =	vld.idx.msk [tilespmem:v23+s10+$0x0], $0xffff;
	v23 =	vadd.s32 s1, v4  }
0x5d: {  	v17 =	vld.idx.msk [tilespmem:v19+s10+$0x0], $0xffff;
	v19 =	vadd.s32 s0, v3  }
0x5e: {  	v20 =	vadd.s32 s21, v8;
	[tilespmem:s15+$0x400] =	vst v16  }
0x5f: {  	v21 =	vadd.s32 s22, v8;
	v16 =	vld.idx.msk [tilespmem:v24+s10+$0x0], $0xffff;
	[tilespmem:s19+$0x400] =	vst v14  }
0x60: {  	v24 =	vadd.s32 s23, v8;
	[tilespmem:s20+$0x70] =	vst v18;
	v15 =	vld.idx.msk [tilespmem:v15+s10+$0x0], $0xffff  }
0x61: {  	v14 =	vadd.s32 s25, v8;
	[tilespmem:s26+$0x20] =	vst v22;
	v22 =	vld.idx.msk [tilespmem:v23+s10+$0x0], $0xffff  }
0x62: {  	[tilespmem:s29+$0x20] =	vst v13;
	v13 =	vld.idx.msk [tilespmem:v19+s10+$0x0], $0xffff;
	v19 =	vadd.s32 s17, v10  }
0x63: {  	v18 =	vadd.s32 s0, v2;
	[tilespmem:s24+$0x20] =	vst v17;
	v17 =	vld.idx.msk [tilespmem:v20+s10+$0x0], $0xffff  }
0x64: {  	[tilespmem:s28+$0x20] =	vst v16;
	v20 =	vld.idx.msk [tilespmem:v21+s10+$0x0], $0xffff;
	v21 =	vadd.s32 s21, v9  }
0x65: {  	v23 =	vadd.s32 s22, v9;
	v16 =	vld.idx.msk [tilespmem:v24+s10+$0x0], $0xffff  }
0x66: {  	v14 =	vld.idx.msk [tilespmem:v14+s10+$0x0], $0xffff;
	[tilespmem:s18+$0x60] =	vst v15;
	v15 =	vadd.s32 s1, v3  }
0x67: {  	v24 =	vadd.s32 s25, v9;
	v19 =	vld.idx.msk [tilespmem:v19+s10+$0x0], $0xffff;
	[tilespmem:s19+$0x410] =	vst v13  }
0x68: {  	v13 =	vadd.s32 s23, v9;
	[tilespmem:s29+$0x30] =	vst v17;
	v17 =	vld.idx.msk [tilespmem:v18+s10+$0x0], $0xffff  }
0x69: {  	[tilespmem:s24+$0x30] =	vst v20;
	v18 =	vld.idx.msk [tilespmem:v21+s10+$0x0], $0xffff;
	v20 =	vadd.s32 s17, v4  }
0x6a: {  	[tilespmem:s20+$0x400] =	vst v22;
	v22 =	vadd.s32 s0, v1;
	v21 =	vld.idx.msk [tilespmem:v23+s10+$0x0], $0xffff  }
0x6b: {  	[tilespmem:s26+$0x30] =	vst v14;
	v14 =	vadd.s32 s21, v11;
	v15 =	vld.idx.msk [tilespmem:v15+s10+$0x0], $0xffff  }
0x6c: {  	[tilespmem:s28+$0x30] =	vst v16;
	v23 =	vadd.s32 s22, v11;
	v16 =	vld.idx.msk [tilespmem:v24+s10+$0x0], $0xffff  }
0x6d: {  	v13 =	vld.idx.msk [tilespmem:v13+s10+$0x0], $0xffff;
	[tilespmem:s18+$0x70] =	vst v19;
	v19 =	vadd.s32 s1, v2  }
0x6e: {  	v24 =	vadd.s32 s25, v11;
	v20 =	vld.idx.msk [tilespmem:v20+s10+$0x0], $0xffff;
	[tilespmem:s19+$0x420] =	vst v17  }
0x6f: {  	v17 =	vadd.s32 s23, v11;
	[tilespmem:s29+$0x40] =	vst v18;
	v18 =	vld.idx.msk [tilespmem:v22+s10+$0x0], $0xffff  }
0x70: {  	[tilespmem:s24+$0x40] =	vst v21;
	v21 =	vadd.s32 s17, v3;
	v14 =	vld.idx.msk [tilespmem:v14+s10+$0x0], $0xffff  }
0x71: {  	v22 =	vld.idx.msk [tilespmem:v23+s10+$0x0], $0xffff;
	v23 =	vadd.s32 s16, v3;
	[tilespmem:s20+$0x410] =	vst v15  }
0x72: {  	[tilespmem:s26+$0x40] =	vst v16;
	v15 =	vadd.s32 s21, v12;
	v25 =	vld.idx.msk [tilespmem:v19+s10+$0x0], $0xffff  }
0x73: {  	v26 =	vadd.s32 s22, v12;
	[tilespmem:s28+$0x40] =	vst v13;
	v24 =	vld.idx.msk [tilespmem:v24+s10+$0x0], $0xffff  }
0x74: {  	v27 =	vld.idx.msk [tilespmem:v17+s10+$0x0], $0xffff;
	[tilespmem:s18+$0x400] =	vst v20;
	v17 =	vadd.s32 s1, v1  }
0x75: {  	v28 =	vadd.s32 s25, v12;
	v20 =	vld.idx.msk [tilespmem:v21+s10+$0x0], $0xffff;
	[tilespmem:s19+$0x430] =	vst v18  }
0x76: {  	v19 =	vadd.s32 s0, v0;
	[tilespmem:s29+$0x50] =	vst v14;
	v16 =	vld.idx.msk [tilespmem:v23+s10+$0x0], $0xffff  }
0x77: {  	v18 =	vadd.s32 s17, v2;
	[tilespmem:s24+$0x50] =	vst v22;
	v22 =	vld.idx.msk [tilespmem:v15+s10+$0x0], $0xffff  }
0x78: {  	v21 =	vld.idx.msk [tilespmem:v26+s10+$0x0], $0xffff;
	v15 =	vadd.s32 s16, v2;
	[tilespmem:s20+$0x420] =	vst v25  }
0x79: {  	v13 =	vadd.s32 s25, v0;
	[tilespmem:s26+$0x50] =	vst v24;
	v24 =	vadd.s32 s21, v10;
	v17 =	vld.idx.msk [tilespmem:v17+s10+$0x0], $0xffff  }
0x7a: {  	s0 =	simm.s32 $0x1F53;
	v14 =	vadd.s32 s1, v0;
	s1 =	simm.s32 $0x4;
	v23 =	vadd.s32 s22, v10;
	[tilespmem:s28+$0x50] =	vst v27;
	v25 =	vld.idx.msk [tilespmem:v28+s10+$0x0], $0xffff  }
.LBB2_3:
0x7b: {  	s8 =	sadd.s32 $0xFFFFF775, s0;
	v26 =	vadd.s32 s0, v5;
	s1 =	sadd.s32 $0x4, s1;
	[tilespmem:s18+$0x410] =	vst v20;
	v19 =	vld.idx.msk [tilespmem:v19+s10+$0x0], $0xffff  }
0x7c: {  	s9 =	sadd.s32 $0xFFFFFA4E, s0;
	v20 =	vadd.s32 s8, v5;
	p0 =	slt.u32 s1, $0x1C;
	[tilespmem:s15+$0x410] =	vst v16;
	v16 =	vld.idx.msk [tilespmem:v18+s10+$0x0], $0xffff  }
0x7d: {  	s2 =	sadd.s32 $0xFFFFFD27, s0;
	v18 =	vadd.s32 s9, v5;
	[tilespmem:s29+$0x60] =	vst v22;
	v15 =	vld.idx.msk [tilespmem:v15+s10+$0x0], $0xffff  }
0x7e: {  	v27 =	vadd.s32 s2, v0;
	v22 =	vadd.s32 s2, v5;
	[tilespmem:s24+$0x60] =	vst v21;
	v21 =	vld.idx.msk [tilespmem:v24+s10+$0x0], $0xffff  }
0x7f: {  	v24 =	vadd.s32 s16, v1;
	v23 =	vld.idx.msk [tilespmem:v23+s10+$0x0], $0xffff;
	[tilespmem:s20+$0x430] =	vst v17  }
0x80: {  	[tilespmem:s26+$0x60] =	vst v25;
	v17 =	vld.idx.msk [tilespmem:v14+s10+$0x0], $0xffff;
	v14 =	vmov v13;
	v13 =	vmov v27  }
0x81: {  	v27 =	vadd.s32 s17, v1;
	v25 =	vld.idx.msk [tilespmem:v26+s10+$0x0], $0xffff;
	v26 =	vadd.s32 s22, v4;
	[tilespmem:s19+$0x434] =	vst v19;
	s19 =	smov.u32 s29  }
0x82: {  	s30 =	sadd.s32 $0x400, s30;
	v19 =	vld.idx.msk [tilespmem:v20+s10+$0x0], $0xffff;
	v20 =	vadd.s32 s0, v6;
	[tilespmem:s18+$0x420] =	vst v16  }
0x83: {  	s31 =	sadd.s32 $0x200, s31;
	s4 =	sand.u32 $0x1800, s30;
	v16 =	vadd.s32 s8, v6;
	v22 =	vld.idx.msk [tilespmem:v22+s10+$0x0], $0xffff;
	[tilespmem:s15+$0x420] =	vst v15  }
0x84: {  	s6 =	sadd.s32 s4, s14;
	s4 =	sand.u32 $0x380, s31;
	s29 =	sadd.s32 $0xFFFFFE80, s31;
	v15 =	vadd.s32 s9, v6;
	[tilespmem:s19+$0x70] =	vst v21;
	v21 =	vld.idx.msk [tilespmem:v24+s10+$0x0], $0xffff  }
0x85: {  	s11 =	sadd.s32 $0xFFFFFF00, s31;
	s7 =	sand.u32 $0x200, s29;
	s29 =	sadd.s32 s4, s6;
	v24 =	vadd.s32 s2, v6;
	v18 =	vld.idx.msk [tilespmem:v18+s10+$0x0], $0xffff;
	[tilespmem:s24+$0x70] =	vst v23  }
0x86: {  	s4 =	sand.u32 $0x280, s11;
	s11 =	sadd.s32 $0xFFFFFF80, s31;
	s7 =	sadd.s32 s7, s6;
	v23 =	vld.idx.msk [tilespmem:v26+s10+$0x0], $0xffff;
	v26 =	vadd.s32 s16, v0;
	[tilespmem:s20+$0x434] =	vst v17  }
0x87: {  	s4 =	sadd.s32 s4, s6;
	s11 =	sand.u32 $0x300, s11;
	s16 =	smov.u32 s22;
	[tilespmem:s29+$0x0] =	vst v25;
	v17 =	vld.idx.msk [tilespmem:v27+s10+$0x0], $0xffff;
	v25 =	vadd.s32 s17, v0  }
0x88: {  	s6 =	sadd.s32 s11, s6;
	s22 =	smov.u32 s8;
	s17 =	smov.u32 s23;
	[tilespmem:s7+$0x0] =	vst v19;
	v19 =	vld.idx.msk [tilespmem:v20+s10+$0x0], $0xffff;
	v20 =	vadd.s32 s21, v4  }
0x89: {  	s20 =	smov.u32 s26;
	s26 =	smov.u32 s6;
	s23 =	smov.u32 s9;
	v16 =	vld.idx.msk [tilespmem:v16+s10+$0x0], $0xffff;
	[tilespmem:s6+$0x0] =	vst v22;
	v22 =	vadd.s32 s0, v7  }
0x8a: {  	v27 =	vadd.s32 s22, v7;
	v24 =	vld.idx.msk [tilespmem:v24+s10+$0x0], $0xffff;
	[tilespmem:s15+$0x430] =	vst v21  }
0x8b: {  	[tilespmem:s4+$0x0] =	vst v18;
	v18 =	vadd.s32 s23, v7;
	v21 =	vld.idx.msk [tilespmem:v26+s10+$0x0], $0xffff  }
0x8c: {  	v26 =	vadd.s32 s2, v7;
	v15 =	vld.idx.msk [tilespmem:v15+s10+$0x0], $0xffff;
	[tilespmem:s24+$0x400] =	vst v23;
	v23 =	vadd.s32 s25, v10  }
0x8d: {  	v20 =	vld.idx.msk [tilespmem:v20+s10+$0x0], $0xffff;
	[tilespmem:s18+$0x430] =	vst v17  }
0x8e: {  	[tilespmem:s29+$0x10] =	vst v19;
	v17 =	vld.idx.msk [tilespmem:v25+s10+$0x0], $0xffff  }
0x8f: {  	v19 =	vadd.s32 s17, v12;
	[tilespmem:s7+$0x10] =	vst v16;
	v16 =	vld.idx.msk [tilespmem:v22+s10+$0x0], $0xffff  }
0x90: {  	v22 =	vld.idx.msk [tilespmem:v27+s10+$0x0], $0xffff;
	[tilespmem:s26+$0x10] =	vst v24;
	v24 =	vadd.s32 s21, v3  }
0x91: {  	v25 =	vadd.s32 s0, v8;
	v23 =	vld.idx.msk [tilespmem:v23+s10+$0x0], $0xffff;
	[tilespmem:s15+$0x434] =	vst v21;
	s15 =	smov.u32 s24;
	s24 =	smov.u32 s7  }
0x92: {  	v21 =	vadd.s32 s22, v8;
	[tilespmem:s4+$0x10] =	vst v15;
	v15 =	vld.idx.msk [tilespmem:v26+s10+$0x0], $0xffff  }
0x93: {  	v26 =	vadd.s32 s25, v4;
	v18 =	vld.idx.msk [tilespmem:v18+s10+$0x0], $0xffff;
	[tilespmem:s19+$0x400] =	vst v20  }
0x94: {  	v20 =	vadd.s32 s2, v8;
	v19 =	vld.idx.msk [tilespmem:v19+s10+$0x0], $0xffff;
	[tilespmem:s18+$0x434] =	vst v17;
	s18 =	smov.u32 s28;
	s28 =	smov.u32 s4  }
0x95: {  	v17 =	vadd.s32 s23, v8;
	[tilespmem:s29+$0x20] =	vst v16;
	v16 =	vld.idx.msk [tilespmem:v24+s10+$0x0], $0xffff  }
0x96: {  	v24 =	vadd.s32 s17, v10;
	[tilespmem:s24+$0x20] =	vst v22;
	v22 =	vld.idx.msk [tilespmem:v25+s10+$0x0], $0xffff  }
0x97: {  	v21 =	vld.idx.msk [tilespmem:v21+s10+$0x0], $0xffff;
	[tilespmem:s20+$0x70] =	vst v23;
	v23 =	vadd.s32 s21, v2  }
0x98: {  	[tilespmem:s26+$0x20] =	vst v15;
	v15 =	vadd.s32 s0, v9;
	v25 =	vld.idx.msk [tilespmem:v26+s10+$0x0], $0xffff  }
0x99: {  	v26 =	vadd.s32 s22, v9;
	[tilespmem:s28+$0x20] =	vst v18;
	v18 =	vld.idx.msk [tilespmem:v20+s10+$0x0], $0xffff  }
0x9a: {  	v17 =	vld.idx.msk [tilespmem:v17+s10+$0x0], $0xffff;
	[tilespmem:s18+$0x60] =	vst v19;
	v19 =	vadd.s32 s25, v3  }
0x9b: {  	v20 =	vadd.s32 s2, v9;
	v24 =	vld.idx.msk [tilespmem:v24+s10+$0x0], $0xffff;
	[tilespmem:s19+$0x410] =	vst v16  }
0x9c: {  	v16 =	vadd.s32 s23, v9;
	[tilespmem:s29+$0x30] =	vst v22;
	v22 =	vld.idx.msk [tilespmem:v23+s10+$0x0], $0xffff  }
0x9d: {  	[tilespmem:s24+$0x30] =	vst v21;
	v15 =	vld.idx.msk [tilespmem:v15+s10+$0x0], $0xffff;
	v21 =	vadd.s32 s17, v4  }
0x9e: {  	v23 =	vld.idx.msk [tilespmem:v26+s10+$0x0], $0xffff;
	[tilespmem:s20+$0x400] =	vst v25;
	v25 =	vadd.s32 s21, v1  }
0x9f: {  	[tilespmem:s26+$0x30] =	vst v18;
	v18 =	vadd.s32 s0, v11;
	v19 =	vld.idx.msk [tilespmem:v19+s10+$0x0], $0xffff  }
0xa0: {  	v26 =	vadd.s32 s22, v11;
	[tilespmem:s28+$0x30] =	vst v17;
	v17 =	vld.idx.msk [tilespmem:v20+s10+$0x0], $0xffff  }
0xa1: {  	v20 =	vadd.s32 s25, v2;
	v16 =	vld.idx.msk [tilespmem:v16+s10+$0x0], $0xffff;
	[tilespmem:s18+$0x70] =	vst v24  }
0xa2: {  	v24 =	vadd.s32 s2, v11;
	v21 =	vld.idx.msk [tilespmem:v21+s10+$0x0], $0xffff;
	[tilespmem:s19+$0x420] =	vst v22  }
0xa3: {  	v22 =	vadd.s32 s23, v11;
	[tilespmem:s29+$0x40] =	vst v15;
	v15 =	vld.idx.msk [tilespmem:v25+s10+$0x0], $0xffff  }
0xa4: {  	[tilespmem:s24+$0x40] =	vst v23;
	v18 =	vld.idx.msk [tilespmem:v18+s10+$0x0], $0xffff;
	v23 =	vadd.s32 s17, v3  }
0xa5: {  	v25 =	vld.idx.msk [tilespmem:v26+s10+$0x0], $0xffff;
	v26 =	vadd.s32 s16, v3;
	[tilespmem:s20+$0x410] =	vst v19  }
0xa6: {  	[tilespmem:s26+$0x40] =	vst v17;
	v17 =	vadd.s32 s0, v12;
	v27 =	vld.idx.msk [tilespmem:v20+s10+$0x0], $0xffff  }
0xa7: {  	v28 =	vadd.s32 s22, v12;
	[tilespmem:s28+$0x40] =	vst v16;
	v24 =	vld.idx.msk [tilespmem:v24+s10+$0x0], $0xffff  }
0xa8: {  	v30 =	vadd.s32 s25, v1;
	s25 =	smov.u32 s2;
	v29 =	vld.idx.msk [tilespmem:v22+s10+$0x0], $0xffff;
	[tilespmem:s18+$0x400] =	vst v21  }
0xa9: {  	v31 =	vadd.s32 s25, v12;
	v20 =	vld.idx.msk [tilespmem:v23+s10+$0x0], $0xffff;
	[tilespmem:s19+$0x430] =	vst v15  }
.Ltmp0:
0xaa: {  	v19 =	vadd.s32 s21, v0;
	s21 =	smov.u32 s0;
	[tilespmem:s29+$0x50] =	vst v18;
	v16 =	vld.idx.msk [tilespmem:v26+s10+$0x0], $0xffff;
	(pc) =	sbr.rel @p0 .LBB2_3-.Ltmp0, $4  }
0xab: {  	v18 =	vadd.s32 s17, v2;
	[tilespmem:s24+$0x50] =	vst v25;
	v22 =	vld.idx.msk [tilespmem:v17+s10+$0x0], $0xffff  }
0xac: {  	v15 =	vadd.s32 s16, v2;
	v21 =	vld.idx.msk [tilespmem:v28+s10+$0x0], $0xffff;
	[tilespmem:s20+$0x420] =	vst v27  }
0xad: {  	[tilespmem:s26+$0x50] =	vst v24;
	v24 =	vadd.s32 s0, v10;
	v17 =	vld.idx.msk [tilespmem:v30+s10+$0x0], $0xffff  }
0xae: {  	v23 =	vadd.s32 s22, v10;
	s0 =	sadd.s32 $0xB64, s0;
	[tilespmem:s28+$0x50] =	vst v29;
	v25 =	vld.idx.msk [tilespmem:v31+s10+$0x0], $0xffff  }
0xaf: {  	v5 =	vadd.s32 s23, v12;
	_ =	sdelay $0x4  }
0xb0: {  	v6 =	vadd.s32 s25, v10;
	v5 =	vld.idx.msk [tilespmem:v5+s10+$0x0], $0xffff  }
0xb1: {  	v7 =	vadd.s32 s23, v10  }
0xb2: {  	[tilespmem:s29+$0x60] =	vst v22  }
0xb3: {  	v8 =	vld.idx.msk [tilespmem:v24+s10+$0x0], $0xffff;
	[tilespmem:s24+$0x60] =	vst v21  }
0xb4: {  	v9 =	vadd.s32 s21, v4;
	v31 =	vld.idx.msk [tilespmem:v23+s10+$0x0], $0xffff;
	[tilespmem:s26+$0x60] =	vst v25  }
0xb5: {  	v32 =	vadd.s32 s22, v4;
	v6 =	vld.idx.msk [tilespmem:v6+s10+$0x0], $0xffff;
	[tilespmem:s28+$0x60] =	vst v5  }
0xb6: {  	v11 =	vadd.s32 s25, v4;
	v7 =	vld.idx.msk [tilespmem:v7+s10+$0x0], $0xffff  }
0xb7: {  	[tilespmem:s18+$0x410] =	vst v20;
	v33 =	vadd.s32 s23, v4  }
0xb8: {  	[tilespmem:s29+$0x70] =	vst v8  }
0xb9: {  	v8 =	vld.idx.msk [tilespmem:v9+s10+$0x0], $0xffff;
	[tilespmem:s24+$0x70] =	vst v31  }
0xba: {  	v34 =	vadd.s32 s21, v3;
	[tilespmem:s26+$0x70] =	vst v6;
	v5 =	vld.idx.msk [tilespmem:v32+s10+$0x0], $0xffff  }
0xbb: {  	v37 =	vadd.s32 s22, v3;
	v35 =	vld.idx.msk [tilespmem:v11+s10+$0x0], $0xffff;
	[tilespmem:s28+$0x70] =	vst v7  }
0xbc: {  	v36 =	vadd.s32 s25, v3;
	[tilespmem:s15+$0x410] =	vst v16;
	v4 =	vld.idx.msk [tilespmem:v33+s10+$0x0], $0xffff  }
0xbd: {  	v38 =	vld.idx.msk [tilespmem:v19+s10+$0x0], $0xffff;
	v39 =	vadd.s32 s23, v3;
	[tilespmem:s20+$0x430] =	vst v17  }
0xbe: {  	v40 =	vld.idx.msk [tilespmem:v18+s10+$0x0], $0xffff;
	[tilespmem:s29+$0x400] =	vst v8  }
0xbf: {  	v6 =	vld.idx.msk [tilespmem:v34+s10+$0x0], $0xffff;
	[tilespmem:s24+$0x400] =	vst v5  }
0xc0: {  	v41 =	vadd.s32 s21, v2;
	[tilespmem:s26+$0x400] =	vst v35;
	v44 =	vld.idx.msk [tilespmem:v37+s10+$0x0], $0xffff  }
0xc1: {  	v45 =	vadd.s32 s22, v2;
	v42 =	vld.idx.msk [tilespmem:v36+s10+$0x0], $0xffff;
	[tilespmem:s28+$0x400] =	vst v4  }
0xc2: {  	v43 =	vadd.s32 s25, v2;
	[tilespmem:s19+$0x434] =	vst v38;
	v3 =	vld.idx.msk [tilespmem:v39+s10+$0x0], $0xffff  }
0xc3: {  	v47 =	vadd.s32 s23, v2;
	v46 =	vld.idx.msk [tilespmem:v15+s10+$0x0], $0xffff;
	[tilespmem:s18+$0x420] =	vst v40  }
0xc4: {  	v48 =	vadd.s32 s16, v1;
	v49 =	vld.idx.msk [tilespmem:v14+s10+$0x0], $0xffff;
	[tilespmem:s29+$0x410] =	vst v6  }
0xc5: {  	v50 =	vadd.s32 s17, v1;
	v5 =	vld.idx.msk [tilespmem:v41+s10+$0x0], $0xffff;
	[tilespmem:s24+$0x410] =	vst v44  }
0xc6: {  	v51 =	vadd.s32 s21, v1;
	[tilespmem:s26+$0x410] =	vst v42;
	v53 =	vld.idx.msk [tilespmem:v45+s10+$0x0], $0xffff  }
0xc7: {  	v54 =	vadd.s32 s22, v1;
	v9 =	vld.idx.msk [tilespmem:v43+s10+$0x0], $0xffff;
	[tilespmem:s28+$0x410] =	vst v3  }
0xc8: {  	v52 =	vadd.s32 s25, v1;
	[tilespmem:s15+$0x420] =	vst v46;
	v2 =	vld.idx.msk [tilespmem:v47+s10+$0x0], $0xffff  }
0xc9: {  	v55 =	vadd.s32 s23, v1;
	v10 =	vld.idx.msk [tilespmem:v48+s10+$0x0], $0xffff;
	[tilespmem:s20+$0x434] =	vst v49  }
0xca: {  	v56 =	vadd.s32 s16, v0;
	v6 =	vld.idx.msk [tilespmem:v50+s10+$0x0], $0xffff;
	[tilespmem:s29+$0x420] =	vst v5  }
0xcb: {  	v57 =	vadd.s32 s17, v0;
	v8 =	vld.idx.msk [tilespmem:v51+s10+$0x0], $0xffff;
	[tilespmem:s24+$0x420] =	vst v53  }
0xcc: {  	v58 =	vadd.s32 s21, v0;
	[tilespmem:s26+$0x420] =	vst v9;
	v59 =	vld.idx.msk [tilespmem:v54+s10+$0x0], $0xffff  }
0xcd: {  	v60 =	vadd.s32 s22, v0;
	v4 =	vld.idx.msk [tilespmem:v52+s10+$0x0], $0xffff;
	[tilespmem:s28+$0x420] =	vst v2  }
0xce: {  	[tilespmem:s15+$0x430] =	vst v10;
	v1 =	vld.idx.msk [tilespmem:v55+s10+$0x0], $0xffff  }
0xcf: {  	v62 =	vadd.s32 s23, v0;
	v61 =	vld.idx.msk [tilespmem:v56+s10+$0x0], $0xffff;
	[tilespmem:s18+$0x430] =	vst v6  }
0xd0: {  	v5 =	vld.idx.msk [tilespmem:v57+s10+$0x0], $0xffff;
	[tilespmem:s29+$0x430] =	vst v8  }
0xd1: {  	v63 =	vld.idx.msk [tilespmem:v58+s10+$0x0], $0xffff;
	[tilespmem:s24+$0x430] =	vst v59  }
0xd2: {  	[tilespmem:s26+$0x430] =	vst v4;
	v2 =	vld.idx.msk [tilespmem:v60+s10+$0x0], $0xffff  }
0xd3: {  	v4 =	vld.idx.msk [tilespmem:v13+s10+$0x0], $0xffff;
	[tilespmem:s28+$0x430] =	vst v1  }
0xd4: {  	s0 =	sshll.u32 s13, $0xF;
	s13 =	sadd.s32 $0x1, s13;
	[tilespmem:s15+$0x434] =	vst v61;
	v0 =	vld.idx.msk [tilespmem:v62+s10+$0x0], $0xffff  }
0xd5: {  	p0 =	sne.s32 s13, $0xC4;
	[tilespmem:s18+$0x434] =	vst v5  }
.Ltmp1:
0xd6: {  	[tilespmem:s29+$0x434] =	vst v63;
	(pc) =	sbr.rel @p0 .LBB2_2-.Ltmp1, $4  }
0xd7: {  	[tilespmem:s24+$0x434] =	vst v2  }
0xd8: {  	[tilespmem:s26+$0x434] =	vst v4  }
0xd9: {  	s0 =	sadd.s32 s0, s5;
	[tilespmem:s28+$0x434] =	vst v0  }
0xda: {  	[hbm4b:s0+s3] =	stream.linear.scatter [tilespmem:s14], [sflag:$0x1], $0x2000, $0x38;
	[tilespmem:$0x1A380] =	vst v63  }
0xdb: {  	s1 =	simm.s32 $0x1  }
0xdc: {  	_ =	swait.ge [sflag:s1], $0x2000  }
0xdd: {  	[sflag:s1] =	ssyncset.done $0x0  }
0xde: {  	[sflag:s1] =	ssyncadd.s32 $0xFFFFE000  }
0xdf: {  	_ =	swait.ge [sflag:s1], $0x2000  }
0xe0: {  	[sflag:s1] =	ssyncset.done $0x0  }
0xe1: {  	[sflag:s1] =	ssyncadd.s32 $0xFFFFE000  }
0xe2: {  	_ =	swait.ge [sflag:s1], $0x2000  }
0xe3: {  	[sflag:s1] =	ssyncset.done $0x0  }
0xe4: {  	[sflag:s1] =	ssyncadd.s32 $0xFFFFE000  }
0xe5: {  	_ =	swait.ge [sflag:s1], $0x2000  }
0xe6: {  	s12 =	sadd.s32 $0x1, s12;
	s0 =	rddreg [dreg:$0x5]  }
0xe7: {  	p0 =	sne.s32 s12, s0  }
.Ltmp2:
0xe8: {  	_ = 	snop;
	(pc) =	sbr.rel @p0 .LBB2_1-.Ltmp2, $3  }
0xe9: {  	_ =	sdelay $0x1  }
0xea: {  	[sflag:s1] =	ssyncset.done $0x0  }
0xeb: {  	[sflag:s1] =	ssyncadd.s32 $0xFFFFE000  }
0xec: {  	_ =	sfence.sel $0x180000  }
0xed: {  	[bflag:$0x0] =	sbarrier.arrive $0xFFFF  }
0xee: {  	_ =	strace $0x90000047  }
0xef: {  	s0 =	stileid.u32;
	[bflag:$0x2] =	sbarrier.arrive $0xFFFF  }
0xf0: {  	p0 =	sne.s32 s0, $0x0;
	s0 =	rddreg [dreg:$0x3]  }
0xf1: {  	s0 =	sadd.s32 @!p0 $0x100000, s0  }
0xf2: {  	[sflag:s0] =	ssyncadd.tile.s32 @!p0 $0x1;
	_ =	shalt  }
.Lfunc_end2:
_tile_overlayer_lowered:
.L_overlay_start_2:
0xf3: {  	(tag) =	ssettag $0x2  }
0xf4: {  	s0 =	rddreg [dreg:$0x0];
	s2 =	stileid.u32  }
0xf5: {  	s1 =	rddreg [dreg:$0x1];
	p0 =	sne.s32 s2, $0x0  }
0xf6: {  	s3 =	rddreg [dreg:$0x2];
	[bflag:$0x3] =	sbarrier.arrive $0xFFFF;
	s2 =	simm.s32 @!p0 $0x1C02  }
0xf7: {  	[timem:s3], [sflag:s2] =	dma.local @!p0 [hbm:s0], s1  }
0xf8: {  	s0 =	simm.s32 @!p0 $0x2  }
0xf9: {  	_ =	swait.ge @!p0 [sflag:s0], s1  }
0xfa: {  	s1 =	ssub.s32 @!p0 $0x0, s1;
	[sflag:s0] =	ssyncset.done @!p0 $0x0  }
0xfb: {  	[sflag:s0] =	ssyncadd.s32 @!p0 s1  }
0xfc: {  	[bflag:$0x3] =	sbarrier.arrive $0xFFFF  }
0xfd: {  	_ =	shalt  }

</sc_bundles>
